<compile_context>
chip_gen: v7x
topology: tpu7x:2x2x1
jax: 0.10.2.dev20260603
libtpu: 0.0.44.dev20260713+nightly
codegen_flags: <defaults>
</compile_context>

<pallas_src>
import functools

import jax
import jax.numpy as jnp
from jax import lax
from jax.experimental import pallas as pl
from jax.experimental.pallas import tpu as pltpu
from jax.experimental.pallas import tpu_sc as plsc

_BLK = 128


@functools.lru_cache(maxsize=None)
def _sc_row_gather(n_tbl, n_out, d, chunk):
    info = plsc.get_sparse_core_info()
    nc, ns = info.num_cores, info.num_subcores
    nw = nc * ns
    cpw = n_out // (nw * chunk)
    assert cpw * nw * chunk == n_out, (n_out, nw, chunk)
    nbuf = min(cpw, 2)

    mesh = plsc.VectorSubcoreMesh(core_axis_name="c", subcore_axis_name="s")

    @functools.partial(
        pl.kernel,
        mesh=mesh,
        out_type=jax.ShapeDtypeStruct((n_out, d), jnp.float32),
        scratch_types=[
            pltpu.VMEM((cpw, chunk), jnp.int32),
        ]
        + [pltpu.VMEM((chunk, d), jnp.float32) for _ in range(nbuf)]
        + [pltpu.SemaphoreType.DMA for _ in range(nbuf)],
    )
    def gather_kernel(table_hbm, idx_hbm, out_hbm, idx_v, *bufs_sems):
        bufs, sems = bufs_sems[:nbuf], bufs_sems[nbuf:]
        wid = lax.axis_index("s") * nc + lax.axis_index("c")
        pltpu.sync_copy(idx_hbm.at[pl.ds(wid * cpw, cpw)], idx_v)

        def drain(j):
            copies[j].wait()
            pltpu.sync_copy(
                bufs[j % nbuf], out_hbm.at[pl.ds((wid * cpw + j) * chunk, chunk)]
            )

        copies = [None] * cpw
        for j in range(cpw):
            if j >= nbuf:
                drain(j - nbuf)
            copies[j] = pltpu.async_copy(
                table_hbm.at[idx_v.at[j]], bufs[j % nbuf], sems[j % nbuf]
            )
        for j in range(max(0, cpw - nbuf), cpw):
            drain(j)

    return gather_kernel


def _gather_rows(table, idx2d, n_out, chunk):
    return _sc_row_gather(table.shape[0], n_out, table.shape[1], chunk)(
        table, idx2d
    )


def _c1_body(emb_ref, w1e_ref, b1_ref, o_ref):
    o_ref[0] = (
        jnp.dot(emb_ref[0], w1e_ref[0, 0], preferred_element_type=jnp.float32)
        + b1_ref[0]
    )


def _mlp_body(m_ref, md_ref, x_ref, w1_ref, c1_ref, w2_ref, b2_ref, o_ref):
    i = pl.program_id(0)
    e = w1_ref.shape[2]

    @pl.when(md_ref[i] == 0)
    def _matmul():
        h1 = (
            jnp.dot(x_ref[:, :e], w1_ref[0, 0], preferred_element_type=jnp.float32)
            + jnp.dot(x_ref[:, e:], w1_ref[0, 1], preferred_element_type=jnp.float32)
            + c1_ref[0]
        )
        y = jnp.maximum(h1, 0.0)
        h2 = jnp.dot(y, w2_ref[0], preferred_element_type=jnp.float32)
        o_ref[...] = jnp.maximum(h2 + b2_ref[0], 0.0)

    @pl.when(md_ref[i] != 0)
    def _copy():
        o_ref[...] = x_ref[...]


def kernel(x, Wr1, br1, Wr2, br2, op_logits, op_emb, W1, b1, W2, b2):
    n, h = x.shape
    t_n, k_n, e_n = op_emb.shape
    g_n = t_n * k_n
    nblk = n // _BLK + g_n + 8
    p_rows = nblk * _BLK

    key = jax.random.key(42)
    k_route, k_op = jax.random.split(key)
    hmid = jnp.maximum(x @ Wr1 + br1, 0.0)
    route_logits = hmid @ Wr2 + br2
    temper_idx = jax.random.categorical(
        k_route, jax.lax.stop_gradient(route_logits), axis=-1
    )
    t_clip = jnp.clip(temper_idx, 0, t_n - 1)
    tok_op_logits = jnp.take(op_logits, t_clip, axis=0)
    op_idx = jax.random.categorical(
        k_op, jax.lax.stop_gradient(tok_op_logits), axis=-1
    )
    e_id = jnp.where(
        temper_idx == t_n, g_n, t_clip * k_n + op_idx
    ).astype(jnp.int32)

    gids = jnp.arange(g_n + 1, dtype=jnp.int32)
    onehot = (e_id[:, None] == gids[None, :]).astype(jnp.int32)
    counts = jnp.cumsum(onehot, axis=0)
    sizes = counts[-1]
    rank = jnp.sum(onehot * counts, axis=1) - 1
    bpg = (sizes + _BLK - 1) // _BLK
    blk_start = jnp.cumsum(bpg) - bpg
    pos_tok = (
        jnp.sum(onehot * blk_start[None, :], axis=1) * _BLK + rank
    ).astype(jnp.int32)

    pad_fill = (jnp.arange(p_rows, dtype=jnp.int32) % n).astype(jnp.int32)
    src_row = pad_fill.at[pos_tok].set(jnp.arange(n, dtype=jnp.int32))

    blk = jnp.arange(nblk, dtype=jnp.int32)
    blk_expert = jnp.clip(
        jnp.searchsorted(blk_start[:g_n], blk, side="right") - 1, 0, g_n - 1
    ).astype(jnp.int32)
    blk_mode = (blk >= blk_start[g_n]).astype(jnp.int32)

    w14 = W1.reshape(g_n, h // e_n + 1, e_n, h)
    w2r = W2.reshape(g_n, h, h)
    emb3 = op_emb.reshape(g_n, 1, e_n)
    b13 = b1.reshape(g_n, 1, h)
    b23 = b2.reshape(g_n, 1, h)

    c13 = pl.pallas_call(
        _c1_body,
        grid=(g_n,),
        in_specs=[
            pl.BlockSpec((1, 1, e_n), lambda g: (g, 0, 0)),
            pl.BlockSpec((1, 1, e_n, h), lambda g: (g, h // e_n, 0, 0)),
            pl.BlockSpec((1, 1, h), lambda g: (g, 0, 0)),
        ],
        out_specs=pl.BlockSpec((1, 1, h), lambda g: (g, 0, 0)),
        out_shape=jax.ShapeDtypeStruct((g_n, 1, h), jnp.float32),
    )(emb3, w14, b13)

    chunk1 = p_rows // 128
    x_pad = _gather_rows(x, src_row.reshape(-1, chunk1), p_rows, chunk1)

    grid_spec = pltpu.PrefetchScalarGridSpec(
        num_scalar_prefetch=2,
        grid=(nblk,),
        in_specs=[
            pl.BlockSpec((_BLK, h), lambda i, m, md: (i, 0)),
            pl.BlockSpec((1, 2, e_n, h), lambda i, m, md: (m[i], 0, 0, 0)),
            pl.BlockSpec((1, 1, h), lambda i, m, md: (m[i], 0, 0)),
            pl.BlockSpec((1, h, h), lambda i, m, md: (m[i], 0, 0)),
            pl.BlockSpec((1, 1, h), lambda i, m, md: (m[i], 0, 0)),
        ],
        out_specs=pl.BlockSpec((_BLK, h), lambda i, m, md: (i, 0)),
    )
    y_pad = pl.pallas_call(
        _mlp_body,
        grid_spec=grid_spec,
        out_shape=jax.ShapeDtypeStruct((p_rows, h), jnp.float32),
    )(blk_expert, blk_mode, x_pad, w14, c13, w2r, b23)

    return _gather_rows(y_pad, pos_tok.reshape(-1, 64), n, 64)

# --- scband reference (transcript-rebuilt; emitter-appended) ---
"""Pipeline reference for scband-temper-graph-27599459844280 (READ-ONLY COPY).

The authoritative reference and input builder live on the scoring server;
editing this copy changes nothing except your own understanding.
"""

import jax, jax.numpy as jnp
import numpy as np

HID = 768      # hidden_dim
NT = 8         # num_tempers
NOPS = 3       # operators per temper
EMB = HID // 2 # operator embedding dim (hidden_dim // 2, per Temper.__init__)
NTOK = 2048    # batch=1 x seq_len=2048 tokens (patches)


def setup_inputs(seed: int = 0) -> dict:
    key = jax.random.key(seed)
    ks = jax.random.split(key, 8)
    x = jax.random.normal(ks[0], (NTOK, HID), dtype=jnp.float32)
    # RoutingPolicy: Linear(HID,32) -> ReLU -> Linear(32, NT+1)  (last slot = halt)
    Wr1 = jax.random.normal(ks[1], (HID, 32), dtype=jnp.float32) * (1.0 / np.sqrt(HID))
    br1 = jnp.zeros((32,), dtype=jnp.float32)
    Wr2 = jax.random.normal(ks[2], (32, NT + 1), dtype=jnp.float32) * (1.0 / np.sqrt(32))
    br2 = jnp.zeros((NT + 1,), dtype=jnp.float32)
    # Per-temper operator selection logits (init zeros like Temper.operator_logits)
    op_logits = jnp.zeros((NT, NOPS), dtype=jnp.float32)
    # Per-temper per-operator embeddings (nn.Embedding(num_ops, EMB))
    op_emb = jax.random.normal(ks[3], (NT, NOPS, EMB), dtype=jnp.float32) * 0.02
    # Each operator: Linear(HID+EMB, HID) -> ReLU -> Linear(HID, HID) -> ReLU
    W1 = jax.random.normal(ks[4], (NT, NOPS, HID + EMB, HID), dtype=jnp.float32) * (1.0 / np.sqrt(HID + EMB))
    b1 = jnp.zeros((NT, NOPS, HID), dtype=jnp.float32)
    W2 = jax.random.normal(ks[5], (NT, NOPS, HID, HID), dtype=jnp.float32) * (1.0 / np.sqrt(HID))
    b2 = jnp.zeros((NT, NOPS, HID), dtype=jnp.float32)
    return {"x": x, "Wr1": Wr1, "br1": br1, "Wr2": Wr2, "br2": br2,
            "op_logits": op_logits, "op_emb": op_emb,
            "W1": W1, "b1": b1, "W2": W2, "b2": b2}


def reference(x, Wr1, br1, Wr2, br2, op_logits, op_emb, W1, b1, W2, b2):
    N, H = x.shape
    T, K, E = op_emb.shape
    key = jax.random.key(42)
    k_route, k_op = jax.random.split(key)

    # RoutingPolicy forward: token -> temper (or halt slot T)
    hmid = jnp.maximum(x @ Wr1 + br1, 0.0)
    route_logits = hmid @ Wr2 + br2                      # [N, T+1]
    temper_idx = jax.random.categorical(k_route, jax.lax.stop_gradient(route_logits), axis=-1)  # [N]
    t_clip = jnp.clip(temper_idx, 0, T - 1)

    # Temper.apply_operators: sample an operator per token from softmax(operator_logits)
    tok_op_logits = jnp.take(op_logits, t_clip, axis=0)  # [N, K]  (gather)
    op_idx = jax.random.categorical(k_op, jax.lax.stop_gradient(tok_op_logits), axis=-1)  # [N]

    # Gather operator embedding for each token and concat with token features
    emb = op_emb[t_clip, op_idx]                         # [N, E]  (gather)
    x_aug = jnp.concatenate([x, emb], axis=-1)           # [N, H+E]

    # Apply selected operator (2-layer ReLU MLP) per token; dense compute + mask-select
    out = jnp.zeros_like(x)
    for t in range(T):
        for k in range(K):
            y = jnp.maximum(x_aug @ W1[t, k] + b1[t, k], 0.0)
            y = jnp.maximum(y @ W2[t, k] + b2[t, k], 0.0)
            mask = (temper_idx == t) & (op_idx == k)
            out = jnp.where(mask[:, None], y, out)
    # Halt slot: token passes through unchanged
    out = jnp.where((temper_idx == T)[:, None], x, out)
    return out

if __name__ == "__main__":
    import jax
    _d = setup_inputs()
    print(jax.jit(kernel)(*tuple(_d.values())))

</pallas_src>

<mosaic_0001>
#map = affine_map<(d0, d1) -> (0, 0)>
module attributes {stable_mosaic.version = 14 : i64} {
  func.func @gather_kernel(%arg0: i32, %arg1: i32, %arg2: memref<2048x768xf32, #tpu.memory_space<hbm>>, %arg3: memref<128x48xi32, #tpu.memory_space<hbm>>, %arg4: memref<6144x768xf32, #tpu.memory_space<hbm>>, %arg5: memref<4x48xi32, #tpu.memory_space<vmem>>, %arg6: memref<48x768xf32, #tpu.memory_space<vmem>>, %arg7: memref<48x768xf32, #tpu.memory_space<vmem>>, %arg8: memref<!tpu.dma_semaphore, #tpu.memory_space<semaphore_mem>>, %arg9: memref<!tpu.dma_semaphore, #tpu.memory_space<semaphore_mem>>) attributes {dimension_semantics = [#tpu.dimension_semantics<core_parallel>, #tpu.dimension_semantics<subcore_parallel>], iteration_bounds = array<i64: 2, 16>, scalar_prefetch = 0 : i64, scratch_operands = 5 : i64, tpu.core_type = #tpu.core_type<sc_vector_subcore>, window_params = [{transform_indices = #map}, {transform_indices = #map}, {transform_indices = #map}]} {
    %mul3A = arith.constant 2 : i32
    %mul3A_0 = arith.muli %arg1, %mul3A : i32
    %add3A = arith.addi %mul3A_0, %arg0 : i32
    %mul3A_1 = arith.constant 4 : i32
    %mul3A_2 = arith.muli %add3A, %mul3A_1 : i32
    "tpu.region"() ({
      %run_scoped3A = tpu.sem_alloc : memref<!tpu.dma_semaphore, #tpu.memory_space<semaphore_mem>>
      %dma_start3A_81 = arith.constant 0 : i32
      %dma_start3A_82 = tpu.memref_slice %arg3[%mul3A_2, %dma_start3A_81] : memref<128x48xi32, #tpu.memory_space<hbm>> -> memref<4x48xi32, #tpu.memory_space<hbm>>
      %dma_start3A_83 = arith.constant 0 : i32
      %dma_start3A_84 = tpu.memref_slice %arg3[%mul3A_2, %dma_start3A_83] : memref<128x48xi32, #tpu.memory_space<hbm>> -> memref<4x48xi32, #tpu.memory_space<hbm>>
      tpu.enqueue_dma source(%dma_start3A_84 : memref<4x48xi32, #tpu.memory_space<hbm>>) target(%arg5 : memref<4x48xi32, #tpu.memory_space<vmem>>) target_semaphore(%run_scoped3A : memref<!tpu.dma_semaphore, #tpu.memory_space<semaphore_mem>>)
      %dma_wait3A_85 = arith.constant 0 : i32
      %dma_wait3A_86 = tpu.memref_slice %arg3[%mul3A_2, %dma_wait3A_85] : memref<128x48xi32, #tpu.memory_space<hbm>> -> memref<4x48xi32, #tpu.memory_space<hbm>>
      %dma_wait3A_87 = arith.constant 0 : i32
      %dma_wait3A_88 = tpu.memref_slice %arg3[%mul3A_2, %dma_wait3A_87] : memref<128x48xi32, #tpu.memory_space<hbm>> -> memref<4x48xi32, #tpu.memory_space<hbm>>
      tpu.wait_dma2 semaphore(%run_scoped3A : memref<!tpu.dma_semaphore, #tpu.memory_space<semaphore_mem>>) src(%dma_wait3A_88 : memref<4x48xi32, #tpu.memory_space<hbm>>) dst(%arg5 : memref<4x48xi32, #tpu.memory_space<vmem>>)
      tpu.yield
    }) : () -> ()
    %dma_start3A = arith.constant 0 : i32
    %dma_start3A_3 = arith.constant 0 : i32
    %dma_start3A_4 = tpu.memref_slice %arg5[%dma_start3A, %dma_start3A_3] : memref<4x48xi32, #tpu.memory_space<vmem>> -> memref<1x48xi32, #tpu.memory_space<vmem>>
    %dma_start3A_5 = tpu.memref_squeeze %dma_start3A_4 : memref<1x48xi32, #tpu.memory_space<vmem>> -> memref<48xi32, #tpu.memory_space<vmem>>
    %dma_start3A_6 = arith.constant 0 : i32
    %dma_start3A_7 = arith.constant 0 : i32
    %dma_start3A_8 = tpu.memref_slice %arg2[%dma_start3A_6, %dma_start3A_7] : memref<2048x768xf32, #tpu.memory_space<hbm>> -> memref<2048x768xf32, #tpu.memory_space<hbm>>
    tpu.enqueue_indirect_dma source(%dma_start3A_8 : memref<2048x768xf32, #tpu.memory_space<hbm>>) target(%arg6 : memref<48x768xf32, #tpu.memory_space<vmem>>) offsets(%dma_start3A_5 : memref<48xi32, #tpu.memory_space<vmem>>) semaphore(%arg8 : memref<!tpu.dma_semaphore, #tpu.memory_space<semaphore_mem>>)
    %dma_start3A_9 = arith.constant 1 : i32
    %dma_start3A_10 = arith.constant 0 : i32
    %dma_start3A_11 = tpu.memref_slice %arg5[%dma_start3A_9, %dma_start3A_10] : memref<4x48xi32, #tpu.memory_space<vmem>> -> memref<1x48xi32, #tpu.memory_space<vmem>>
    %dma_start3A_12 = tpu.memref_squeeze %dma_start3A_11 : memref<1x48xi32, #tpu.memory_space<vmem>> -> memref<48xi32, #tpu.memory_space<vmem>>
    %dma_start3A_13 = arith.constant 0 : i32
    %dma_start3A_14 = arith.constant 0 : i32
    %dma_start3A_15 = tpu.memref_slice %arg2[%dma_start3A_13, %dma_start3A_14] : memref<2048x768xf32, #tpu.memory_space<hbm>> -> memref<2048x768xf32, #tpu.memory_space<hbm>>
    tpu.enqueue_indirect_dma source(%dma_start3A_15 : memref<2048x768xf32, #tpu.memory_space<hbm>>) target(%arg7 : memref<48x768xf32, #tpu.memory_space<vmem>>) offsets(%dma_start3A_12 : memref<48xi32, #tpu.memory_space<vmem>>) semaphore(%arg9 : memref<!tpu.dma_semaphore, #tpu.memory_space<semaphore_mem>>)
    %dma_wait3A = arith.constant 0 : i32
    %dma_wait3A_16 = arith.constant 0 : i32
    %dma_wait3A_17 = tpu.memref_slice %arg5[%dma_wait3A, %dma_wait3A_16] : memref<4x48xi32, #tpu.memory_space<vmem>> -> memref<1x48xi32, #tpu.memory_space<vmem>>
    %dma_wait3A_18 = tpu.memref_squeeze %dma_wait3A_17 : memref<1x48xi32, #tpu.memory_space<vmem>> -> memref<48xi32, #tpu.memory_space<vmem>>
    %dma_wait3A_19 = arith.constant 0 : i32
    %dma_wait3A_20 = arith.constant 0 : i32
    %dma_wait3A_21 = tpu.memref_slice %arg2[%dma_wait3A_19, %dma_wait3A_20] : memref<2048x768xf32, #tpu.memory_space<hbm>> -> memref<2048x768xf32, #tpu.memory_space<hbm>>
    tpu.wait_indirect_dma semaphore(%arg8 : memref<!tpu.dma_semaphore, #tpu.memory_space<semaphore_mem>>) src(%dma_wait3A_21 : memref<2048x768xf32, #tpu.memory_space<hbm>>) dst(%arg6 : memref<48x768xf32, #tpu.memory_space<vmem>>)
    %mul3A_22 = arith.constant 4 : i32
    %mul3A_23 = arith.muli %add3A, %mul3A_22 : i32
    %add3A_24 = arith.constant 0 : i32
    %add3A_25 = arith.addi %mul3A_23, %add3A_24 : i32
    %mul3A_26 = arith.constant 48 : i32
    %mul3A_27 = arith.muli %add3A_25, %mul3A_26 : i32
    "tpu.region"() ({
      %run_scoped3A = tpu.sem_alloc : memref<!tpu.dma_semaphore, #tpu.memory_space<semaphore_mem>>
      %dma_start3A_81 = arith.constant 0 : i32
      %dma_start3A_82 = tpu.memref_slice %arg4[%mul3A_27, %dma_start3A_81] : memref<6144x768xf32, #tpu.memory_space<hbm>> -> memref<48x768xf32, #tpu.memory_space<hbm>>
      %dma_start3A_83 = arith.constant 0 : i32
      %dma_start3A_84 = tpu.memref_slice %arg4[%mul3A_27, %dma_start3A_83] : memref<6144x768xf32, #tpu.memory_space<hbm>> -> memref<48x768xf32, #tpu.memory_space<hbm>>
      tpu.enqueue_dma source(%arg6 : memref<48x768xf32, #tpu.memory_space<vmem>>) target(%dma_start3A_84 : memref<48x768xf32, #tpu.memory_space<hbm>>) target_semaphore(%run_scoped3A : memref<!tpu.dma_semaphore, #tpu.memory_space<semaphore_mem>>)
      %dma_wait3A_85 = arith.constant 0 : i32
      %dma_wait3A_86 = tpu.memref_slice %arg4[%mul3A_27, %dma_wait3A_85] : memref<6144x768xf32, #tpu.memory_space<hbm>> -> memref<48x768xf32, #tpu.memory_space<hbm>>
      %dma_wait3A_87 = arith.constant 0 : i32
      %dma_wait3A_88 = tpu.memref_slice %arg4[%mul3A_27, %dma_wait3A_87] : memref<6144x768xf32, #tpu.memory_space<hbm>> -> memref<48x768xf32, #tpu.memory_space<hbm>>
      tpu.wait_dma2 semaphore(%run_scoped3A : memref<!tpu.dma_semaphore, #tpu.memory_space<semaphore_mem>>) src(%arg6 : memref<48x768xf32, #tpu.memory_space<vmem>>) dst(%dma_wait3A_88 : memref<48x768xf32, #tpu.memory_space<hbm>>)
      tpu.yield
    }) : () -> ()
    %dma_start3A_28 = arith.constant 2 : i32
    %dma_start3A_29 = arith.constant 0 : i32
    %dma_start3A_30 = tpu.memref_slice %arg5[%dma_start3A_28, %dma_start3A_29] : memref<4x48xi32, #tpu.memory_space<vmem>> -> memref<1x48xi32, #tpu.memory_space<vmem>>
    %dma_start3A_31 = tpu.memref_squeeze %dma_start3A_30 : memref<1x48xi32, #tpu.memory_space<vmem>> -> memref<48xi32, #tpu.memory_space<vmem>>
    %dma_start3A_32 = arith.constant 0 : i32
    %dma_start3A_33 = arith.constant 0 : i32
    %dma_start3A_34 = tpu.memref_slice %arg2[%dma_start3A_32, %dma_start3A_33] : memref<2048x768xf32, #tpu.memory_space<hbm>> -> memref<2048x768xf32, #tpu.memory_space<hbm>>
    tpu.enqueue_indirect_dma source(%dma_start3A_34 : memref<2048x768xf32, #tpu.memory_space<hbm>>) target(%arg6 : memref<48x768xf32, #tpu.memory_space<vmem>>) offsets(%dma_start3A_31 : memref<48xi32, #tpu.memory_space<vmem>>) semaphore(%arg8 : memref<!tpu.dma_semaphore, #tpu.memory_space<semaphore_mem>>)
    %dma_wait3A_35 = arith.constant 1 : i32
    %dma_wait3A_36 = arith.constant 0 : i32
    %dma_wait3A_37 = tpu.memref_slice %arg5[%dma_wait3A_35, %dma_wait3A_36] : memref<4x48xi32, #tpu.memory_space<vmem>> -> memref<1x48xi32, #tpu.memory_space<vmem>>
    %dma_wait3A_38 = tpu.memref_squeeze %dma_wait3A_37 : memref<1x48xi32, #tpu.memory_space<vmem>> -> memref<48xi32, #tpu.memory_space<vmem>>
    %dma_wait3A_39 = arith.constant 0 : i32
    %dma_wait3A_40 = arith.constant 0 : i32
    %dma_wait3A_41 = tpu.memref_slice %arg2[%dma_wait3A_39, %dma_wait3A_40] : memref<2048x768xf32, #tpu.memory_space<hbm>> -> memref<2048x768xf32, #tpu.memory_space<hbm>>
    tpu.wait_indirect_dma semaphore(%arg9 : memref<!tpu.dma_semaphore, #tpu.memory_space<semaphore_mem>>) src(%dma_wait3A_41 : memref<2048x768xf32, #tpu.memory_space<hbm>>) dst(%arg7 : memref<48x768xf32, #tpu.memory_space<vmem>>)
    %mul3A_42 = arith.constant 4 : i32
    %mul3A_43 = arith.muli %add3A, %mul3A_42 : i32
    %add3A_44 = arith.constant 1 : i32
    %add3A_45 = arith.addi %mul3A_43, %add3A_44 : i32
    %mul3A_46 = arith.constant 48 : i32
    %mul3A_47 = arith.muli %add3A_45, %mul3A_46 : i32
    "tpu.region"() ({
      %run_scoped3A = tpu.sem_alloc : memref<!tpu.dma_semaphore, #tpu.memory_space<semaphore_mem>>
      %dma_start3A_81 = arith.constant 0 : i32
      %dma_start3A_82 = tpu.memref_slice %arg4[%mul3A_47, %dma_start3A_81] : memref<6144x768xf32, #tpu.memory_space<hbm>> -> memref<48x768xf32, #tpu.memory_space<hbm>>
      %dma_start3A_83 = arith.constant 0 : i32
      %dma_start3A_84 = tpu.memref_slice %arg4[%mul3A_47, %dma_start3A_83] : memref<6144x768xf32, #tpu.memory_space<hbm>> -> memref<48x768xf32, #tpu.memory_space<hbm>>
      tpu.enqueue_dma source(%arg7 : memref<48x768xf32, #tpu.memory_space<vmem>>) target(%dma_start3A_84 : memref<48x768xf32, #tpu.memory_space<hbm>>) target_semaphore(%run_scoped3A : memref<!tpu.dma_semaphore, #tpu.memory_space<semaphore_mem>>)
      %dma_wait3A_85 = arith.constant 0 : i32
      %dma_wait3A_86 = tpu.memref_slice %arg4[%mul3A_47, %dma_wait3A_85] : memref<6144x768xf32, #tpu.memory_space<hbm>> -> memref<48x768xf32, #tpu.memory_space<hbm>>
      %dma_wait3A_87 = arith.constant 0 : i32
      %dma_wait3A_88 = tpu.memref_slice %arg4[%mul3A_47, %dma_wait3A_87] : memref<6144x768xf32, #tpu.memory_space<hbm>> -> memref<48x768xf32, #tpu.memory_space<hbm>>
      tpu.wait_dma2 semaphore(%run_scoped3A : memref<!tpu.dma_semaphore, #tpu.memory_space<semaphore_mem>>) src(%arg7 : memref<48x768xf32, #tpu.memory_space<vmem>>) dst(%dma_wait3A_88 : memref<48x768xf32, #tpu.memory_space<hbm>>)
      tpu.yield
    }) : () -> ()
    %dma_start3A_48 = arith.constant 3 : i32
    %dma_start3A_49 = arith.constant 0 : i32
    %dma_start3A_50 = tpu.memref_slice %arg5[%dma_start3A_48, %dma_start3A_49] : memref<4x48xi32, #tpu.memory_space<vmem>> -> memref<1x48xi32, #tpu.memory_space<vmem>>
    %dma_start3A_51 = tpu.memref_squeeze %dma_start3A_50 : memref<1x48xi32, #tpu.memory_space<vmem>> -> memref<48xi32, #tpu.memory_space<vmem>>
    %dma_start3A_52 = arith.constant 0 : i32
    %dma_start3A_53 = arith.constant 0 : i32
    %dma_start3A_54 = tpu.memref_slice %arg2[%dma_start3A_52, %dma_start3A_53] : memref<2048x768xf32, #tpu.memory_space<hbm>> -> memref<2048x768xf32, #tpu.memory_space<hbm>>
    tpu.enqueue_indirect_dma source(%dma_start3A_54 : memref<2048x768xf32, #tpu.memory_space<hbm>>) target(%arg7 : memref<48x768xf32, #tpu.memory_space<vmem>>) offsets(%dma_start3A_51 : memref<48xi32, #tpu.memory_space<vmem>>) semaphore(%arg9 : memref<!tpu.dma_semaphore, #tpu.memory_space<semaphore_mem>>)
    %dma_wait3A_55 = arith.constant 2 : i32
    %dma_wait3A_56 = arith.constant 0 : i32
    %dma_wait3A_57 = tpu.memref_slice %arg5[%dma_wait3A_55, %dma_wait3A_56] : memref<4x48xi32, #tpu.memory_space<vmem>> -> memref<1x48xi32, #tpu.memory_space<vmem>>
    %dma_wait3A_58 = tpu.memref_squeeze %dma_wait3A_57 : memref<1x48xi32, #tpu.memory_space<vmem>> -> memref<48xi32, #tpu.memory_space<vmem>>
    %dma_wait3A_59 = arith.constant 0 : i32
    %dma_wait3A_60 = arith.constant 0 : i32
    %dma_wait3A_61 = tpu.memref_slice %arg2[%dma_wait3A_59, %dma_wait3A_60] : memref<2048x768xf32, #tpu.memory_space<hbm>> -> memref<2048x768xf32, #tpu.memory_space<hbm>>
    tpu.wait_indirect_dma semaphore(%arg8 : memref<!tpu.dma_semaphore, #tpu.memory_space<semaphore_mem>>) src(%dma_wait3A_61 : memref<2048x768xf32, #tpu.memory_space<hbm>>) dst(%arg6 : memref<48x768xf32, #tpu.memory_space<vmem>>)
    %mul3A_62 = arith.constant 4 : i32
    %mul3A_63 = arith.muli %add3A, %mul3A_62 : i32
    %add3A_64 = arith.constant 2 : i32
    %add3A_65 = arith.addi %mul3A_63, %add3A_64 : i32
    %mul3A_66 = arith.constant 48 : i32
    %mul3A_67 = arith.muli %add3A_65, %mul3A_66 : i32
    "tpu.region"() ({
      %run_scoped3A = tpu.sem_alloc : memref<!tpu.dma_semaphore, #tpu.memory_space<semaphore_mem>>
      %dma_start3A_81 = arith.constant 0 : i32
      %dma_start3A_82 = tpu.memref_slice %arg4[%mul3A_67, %dma_start3A_81] : memref<6144x768xf32, #tpu.memory_space<hbm>> -> memref<48x768xf32, #tpu.memory_space<hbm>>
      %dma_start3A_83 = arith.constant 0 : i32
      %dma_start3A_84 = tpu.memref_slice %arg4[%mul3A_67, %dma_start3A_83] : memref<6144x768xf32, #tpu.memory_space<hbm>> -> memref<48x768xf32, #tpu.memory_space<hbm>>
      tpu.enqueue_dma source(%arg6 : memref<48x768xf32, #tpu.memory_space<vmem>>) target(%dma_start3A_84 : memref<48x768xf32, #tpu.memory_space<hbm>>) target_semaphore(%run_scoped3A : memref<!tpu.dma_semaphore, #tpu.memory_space<semaphore_mem>>)
      %dma_wait3A_85 = arith.constant 0 : i32
      %dma_wait3A_86 = tpu.memref_slice %arg4[%mul3A_67, %dma_wait3A_85] : memref<6144x768xf32, #tpu.memory_space<hbm>> -> memref<48x768xf32, #tpu.memory_space<hbm>>
      %dma_wait3A_87 = arith.constant 0 : i32
      %dma_wait3A_88 = tpu.memref_slice %arg4[%mul3A_67, %dma_wait3A_87] : memref<6144x768xf32, #tpu.memory_space<hbm>> -> memref<48x768xf32, #tpu.memory_space<hbm>>
      tpu.wait_dma2 semaphore(%run_scoped3A : memref<!tpu.dma_semaphore, #tpu.memory_space<semaphore_mem>>) src(%arg6 : memref<48x768xf32, #tpu.memory_space<vmem>>) dst(%dma_wait3A_88 : memref<48x768xf32, #tpu.memory_space<hbm>>)
      tpu.yield
    }) : () -> ()
    %dma_wait3A_68 = arith.constant 3 : i32
    %dma_wait3A_69 = arith.constant 0 : i32
    %dma_wait3A_70 = tpu.memref_slice %arg5[%dma_wait3A_68, %dma_wait3A_69] : memref<4x48xi32, #tpu.memory_space<vmem>> -> memref<1x48xi32, #tpu.memory_space<vmem>>
    %dma_wait3A_71 = tpu.memref_squeeze %dma_wait3A_70 : memref<1x48xi32, #tpu.memory_space<vmem>> -> memref<48xi32, #tpu.memory_space<vmem>>
    %dma_wait3A_72 = arith.constant 0 : i32
    %dma_wait3A_73 = arith.constant 0 : i32
    %dma_wait3A_74 = tpu.memref_slice %arg2[%dma_wait3A_72, %dma_wait3A_73] : memref<2048x768xf32, #tpu.memory_space<hbm>> -> memref<2048x768xf32, #tpu.memory_space<hbm>>
    tpu.wait_indirect_dma semaphore(%arg9 : memref<!tpu.dma_semaphore, #tpu.memory_space<semaphore_mem>>) src(%dma_wait3A_74 : memref<2048x768xf32, #tpu.memory_space<hbm>>) dst(%arg7 : memref<48x768xf32, #tpu.memory_space<vmem>>)
    %mul3A_75 = arith.constant 4 : i32
    %mul3A_76 = arith.muli %add3A, %mul3A_75 : i32
    %add3A_77 = arith.constant 3 : i32
    %add3A_78 = arith.addi %mul3A_76, %add3A_77 : i32
    %mul3A_79 = arith.constant 48 : i32
    %mul3A_80 = arith.muli %add3A_78, %mul3A_79 : i32
    "tpu.region"() ({
      %run_scoped3A = tpu.sem_alloc : memref<!tpu.dma_semaphore, #tpu.memory_space<semaphore_mem>>
      %dma_start3A_81 = arith.constant 0 : i32
      %dma_start3A_82 = tpu.memref_slice %arg4[%mul3A_80, %dma_start3A_81] : memref<6144x768xf32, #tpu.memory_space<hbm>> -> memref<48x768xf32, #tpu.memory_space<hbm>>
      %dma_start3A_83 = arith.constant 0 : i32
      %dma_start3A_84 = tpu.memref_slice %arg4[%mul3A_80, %dma_start3A_83] : memref<6144x768xf32, #tpu.memory_space<hbm>> -> memref<48x768xf32, #tpu.memory_space<hbm>>
      tpu.enqueue_dma source(%arg7 : memref<48x768xf32, #tpu.memory_space<vmem>>) target(%dma_start3A_84 : memref<48x768xf32, #tpu.memory_space<hbm>>) target_semaphore(%run_scoped3A : memref<!tpu.dma_semaphore, #tpu.memory_space<semaphore_mem>>)
      %dma_wait3A_85 = arith.constant 0 : i32
      %dma_wait3A_86 = tpu.memref_slice %arg4[%mul3A_80, %dma_wait3A_85] : memref<6144x768xf32, #tpu.memory_space<hbm>> -> memref<48x768xf32, #tpu.memory_space<hbm>>
      %dma_wait3A_87 = arith.constant 0 : i32
      %dma_wait3A_88 = tpu.memref_slice %arg4[%mul3A_80, %dma_wait3A_87] : memref<6144x768xf32, #tpu.memory_space<hbm>> -> memref<48x768xf32, #tpu.memory_space<hbm>>
      tpu.wait_dma2 semaphore(%run_scoped3A : memref<!tpu.dma_semaphore, #tpu.memory_space<semaphore_mem>>) src(%arg7 : memref<48x768xf32, #tpu.memory_space<vmem>>) dst(%dma_wait3A_88 : memref<48x768xf32, #tpu.memory_space<hbm>>)
      tpu.yield
    }) : () -> ()
    return
  }
}

#map = affine_map<(d0, d1) -> (0, 0)>
module attributes {stable_mosaic.version = 14 : i64} {
  func.func @gather_kernel(%arg0: i32, %arg1: i32, %arg2: memref<6144x768xf32, #tpu.memory_space<hbm>>, %arg3: memref<32x64xi32, #tpu.memory_space<hbm>>, %arg4: memref<2048x768xf32, #tpu.memory_space<hbm>>, %arg5: memref<1x64xi32, #tpu.memory_space<vmem>>, %arg6: memref<64x768xf32, #tpu.memory_space<vmem>>, %arg7: memref<!tpu.dma_semaphore, #tpu.memory_space<semaphore_mem>>) attributes {dimension_semantics = [#tpu.dimension_semantics<core_parallel>, #tpu.dimension_semantics<subcore_parallel>], iteration_bounds = array<i64: 2, 16>, scalar_prefetch = 0 : i64, scratch_operands = 3 : i64, tpu.core_type = #tpu.core_type<sc_vector_subcore>, window_params = [{transform_indices = #map}, {transform_indices = #map}, {transform_indices = #map}]} {
    %mul3A = arith.constant 2 : i32
    %mul3A_0 = arith.muli %arg1, %mul3A : i32
    %add3A = arith.addi %mul3A_0, %arg0 : i32
    %mul3A_1 = arith.constant 1 : i32
    %mul3A_2 = arith.muli %add3A, %mul3A_1 : i32
    "tpu.region"() ({
      %run_scoped3A = tpu.sem_alloc : memref<!tpu.dma_semaphore, #tpu.memory_space<semaphore_mem>>
      %dma_start3A_21 = arith.constant 0 : i32
      %dma_start3A_22 = tpu.memref_slice %arg3[%mul3A_2, %dma_start3A_21] : memref<32x64xi32, #tpu.memory_space<hbm>> -> memref<1x64xi32, #tpu.memory_space<hbm>>
      %dma_start3A_23 = arith.constant 0 : i32
      %dma_start3A_24 = tpu.memref_slice %arg3[%mul3A_2, %dma_start3A_23] : memref<32x64xi32, #tpu.memory_space<hbm>> -> memref<1x64xi32, #tpu.memory_space<hbm>>
      tpu.enqueue_dma source(%dma_start3A_24 : memref<1x64xi32, #tpu.memory_space<hbm>>) target(%arg5 : memref<1x64xi32, #tpu.memory_space<vmem>>) target_semaphore(%run_scoped3A : memref<!tpu.dma_semaphore, #tpu.memory_space<semaphore_mem>>)
      %dma_wait3A_25 = arith.constant 0 : i32
      %dma_wait3A_26 = tpu.memref_slice %arg3[%mul3A_2, %dma_wait3A_25] : memref<32x64xi32, #tpu.memory_space<hbm>> -> memref<1x64xi32, #tpu.memory_space<hbm>>
      %dma_wait3A_27 = arith.constant 0 : i32
      %dma_wait3A_28 = tpu.memref_slice %arg3[%mul3A_2, %dma_wait3A_27] : memref<32x64xi32, #tpu.memory_space<hbm>> -> memref<1x64xi32, #tpu.memory_space<hbm>>
      tpu.wait_dma2 semaphore(%run_scoped3A : memref<!tpu.dma_semaphore, #tpu.memory_space<semaphore_mem>>) src(%dma_wait3A_28 : memref<1x64xi32, #tpu.memory_space<hbm>>) dst(%arg5 : memref<1x64xi32, #tpu.memory_space<vmem>>)
      tpu.yield
    }) : () -> ()
    %dma_start3A = arith.constant 0 : i32
    %dma_start3A_3 = arith.constant 0 : i32
    %dma_start3A_4 = tpu.memref_slice %arg5[%dma_start3A, %dma_start3A_3] : memref<1x64xi32, #tpu.memory_space<vmem>> -> memref<1x64xi32, #tpu.memory_space<vmem>>
    %dma_start3A_5 = tpu.memref_squeeze %dma_start3A_4 : memref<1x64xi32, #tpu.memory_space<vmem>> -> memref<64xi32, #tpu.memory_space<vmem>>
    %dma_start3A_6 = arith.constant 0 : i32
    %dma_start3A_7 = arith.constant 0 : i32
    %dma_start3A_8 = tpu.memref_slice %arg2[%dma_start3A_6, %dma_start3A_7] : memref<6144x768xf32, #tpu.memory_space<hbm>> -> memref<6144x768xf32, #tpu.memory_space<hbm>>
    tpu.enqueue_indirect_dma source(%dma_start3A_8 : memref<6144x768xf32, #tpu.memory_space<hbm>>) target(%arg6 : memref<64x768xf32, #tpu.memory_space<vmem>>) offsets(%dma_start3A_5 : memref<64xi32, #tpu.memory_space<vmem>>) semaphore(%arg7 : memref<!tpu.dma_semaphore, #tpu.memory_space<semaphore_mem>>)
    %dma_wait3A = arith.constant 0 : i32
    %dma_wait3A_9 = arith.constant 0 : i32
    %dma_wait3A_10 = tpu.memref_slice %arg5[%dma_wait3A, %dma_wait3A_9] : memref<1x64xi32, #tpu.memory_space<vmem>> -> memref<1x64xi32, #tpu.memory_space<vmem>>
    %dma_wait3A_11 = tpu.memref_squeeze %dma_wait3A_10 : memref<1x64xi32, #tpu.memory_space<vmem>> -> memref<64xi32, #tpu.memory_space<vmem>>
    %dma_wait3A_12 = arith.constant 0 : i32
    %dma_wait3A_13 = arith.constant 0 : i32
    %dma_wait3A_14 = tpu.memref_slice %arg2[%dma_wait3A_12, %dma_wait3A_13] : memref<6144x768xf32, #tpu.memory_space<hbm>> -> memref<6144x768xf32, #tpu.memory_space<hbm>>
    tpu.wait_indirect_dma semaphore(%arg7 : memref<!tpu.dma_semaphore, #tpu.memory_space<semaphore_mem>>) src(%dma_wait3A_14 : memref<6144x768xf32, #tpu.memory_space<hbm>>) dst(%arg6 : memref<64x768xf32, #tpu.memory_space<vmem>>)
    %mul3A_15 = arith.constant 1 : i32
    %mul3A_16 = arith.muli %add3A, %mul3A_15 : i32
    %add3A_17 = arith.constant 0 : i32
    %add3A_18 = arith.addi %mul3A_16, %add3A_17 : i32
    %mul3A_19 = arith.constant 64 : i32
    %mul3A_20 = arith.muli %add3A_18, %mul3A_19 : i32
    "tpu.region"() ({
      %run_scoped3A = tpu.sem_alloc : memref<!tpu.dma_semaphore, #tpu.memory_space<semaphore_mem>>
      %dma_start3A_21 = arith.constant 0 : i32
      %dma_start3A_22 = tpu.memref_slice %arg4[%mul3A_20, %dma_start3A_21] : memref<2048x768xf32, #tpu.memory_space<hbm>> -> memref<64x768xf32, #tpu.memory_space<hbm>>
      %dma_start3A_23 = arith.constant 0 : i32
      %dma_start3A_24 = tpu.memref_slice %arg4[%mul3A_20, %dma_start3A_23] : memref<2048x768xf32, #tpu.memory_space<hbm>> -> memref<64x768xf32, #tpu.memory_space<hbm>>
      tpu.enqueue_dma source(%arg6 : memref<64x768xf32, #tpu.memory_space<vmem>>) target(%dma_start3A_24 : memref<64x768xf32, #tpu.memory_space<hbm>>) target_semaphore(%run_scoped3A : memref<!tpu.dma_semaphore, #tpu.memory_space<semaphore_mem>>)
      %dma_wait3A_25 = arith.constant 0 : i32
      %dma_wait3A_26 = tpu.memref_slice %arg4[%mul3A_20, %dma_wait3A_25] : memref<2048x768xf32, #tpu.memory_space<hbm>> -> memref<64x768xf32, #tpu.memory_space<hbm>>
      %dma_wait3A_27 = arith.constant 0 : i32
      %dma_wait3A_28 = tpu.memref_slice %arg4[%mul3A_20, %dma_wait3A_27] : memref<2048x768xf32, #tpu.memory_space<hbm>> -> memref<64x768xf32, #tpu.memory_space<hbm>>
      tpu.wait_dma2 semaphore(%run_scoped3A : memref<!tpu.dma_semaphore, #tpu.memory_space<semaphore_mem>>) src(%arg6 : memref<64x768xf32, #tpu.memory_space<vmem>>) dst(%dma_wait3A_28 : memref<64x768xf32, #tpu.memory_space<hbm>>)
      tpu.yield
    }) : () -> ()
    return
  }
}

module attributes {stable_mosaic.version = 14 : i64} {
  func.func @_c1_body(%arg0: i32, %arg1: memref<1x1x384xf32, #tpu.memory_space<vmem>>, %arg2: memref<1x1x384x768xf32, #tpu.memory_space<vmem>>, %arg3: memref<1x1x768xf32, #tpu.memory_space<vmem>>, %arg4: memref<1x1x768xf32, #tpu.memory_space<vmem>>) attributes {dimension_semantics = [#tpu.dimension_semantics<arbitrary>], iteration_bounds = array<i64: 24>, scalar_prefetch = 0 : i64, scratch_operands = 0 : i64, tpu.core_type = #tpu.core_type<tc>, window_params = [{transform_indices = @transform_0, window_bounds = array<i64: 1, 1, 384>}, {transform_indices = @transform_1, window_bounds = array<i64: 1, 1, 384, 768>}, {transform_indices = @transform_2, window_bounds = array<i64: 1, 1, 768>}, {transform_indices = @transform_3, window_bounds = array<i64: 1, 1, 768>}]} {
    %get3A = arith.constant 0 : index
    %get3A_0 = arith.constant 0 : index
    %get3A_1 = arith.constant 0 : index
    %get3A_2 = vector.load %arg1[%get3A, %get3A_0, %get3A_1] : memref<1x1x384xf32, #tpu.memory_space<vmem>>, vector<1x1x384xf32>
    %get3A_3 = vector.shape_cast %get3A_2 : vector<1x1x384xf32> to vector<1x384xf32>
    %get3A_4 = arith.constant 0 : index
    %get3A_5 = arith.constant 0 : index
    %get3A_6 = arith.constant 0 : index
    %get3A_7 = arith.constant 0 : index
    %get3A_8 = vector.load %arg2[%get3A_4, %get3A_5, %get3A_6, %get3A_7] : memref<1x1x384x768xf32, #tpu.memory_space<vmem>>, vector<1x1x384x768xf32>
    %get3A_9 = vector.shape_cast %get3A_8 : vector<1x1x384x768xf32> to vector<384x768xf32>
    %dot_general3A = arith.constant dense<0.000000e+00> : vector<1x768xf32>
    %dot_general3A_10 = tpu.matmul %get3A_3, %get3A_9, %dot_general3A {dimension_numbers = #tpu.dot_dimension_numbers<[1], [0], [0], [1], [0, 0, 1, 1], [], []>, transpose_lhs_hint = false} : vector<1x384xf32>, vector<384x768xf32>, vector<1x768xf32> -> vector<1x768xf32>
    %get3A_11 = arith.constant 0 : index
    %get3A_12 = arith.constant 0 : index
    %get3A_13 = arith.constant 0 : index
    %get3A_14 = vector.load %arg3[%get3A_11, %get3A_12, %get3A_13] : memref<1x1x768xf32, #tpu.memory_space<vmem>>, vector<1x1x768xf32>
    %get3A_15 = vector.shape_cast %get3A_14 : vector<1x1x768xf32> to vector<1x768xf32>
    %add3A = arith.addf %dot_general3A_10, %get3A_15 : vector<1x768xf32>
    %swap3A = arith.constant 0 : index
    %swap3A_16 = arith.constant 0 : index
    %swap3A_17 = arith.constant 0 : index
    %swap3A_18 = vector.load %arg4[%swap3A, %swap3A_16, %swap3A_17] : memref<1x1x768xf32, #tpu.memory_space<vmem>>, vector<1x1x768xf32>
    %swap3A_19 = vector.shape_cast %swap3A_18 : vector<1x1x768xf32> to vector<1x768xf32>
    %swap3A_20 = vector.shape_cast %add3A : vector<1x768xf32> to vector<1x1x768xf32>
    tpu.vector_store %arg4[%swap3A, %swap3A_16, %swap3A_17], %swap3A_20 {strides = array<i32>} : memref<1x1x768xf32, #tpu.memory_space<vmem>>, vector<1x1x768xf32>,
    return
  }
  func.func @transform_0(%arg0: i32) -> (i32, i32, i32) {
    %c0_i32 = arith.constant 0 : i32
    %c0_i32_0 = arith.constant 0 : i32
    %c0_i32_1 = arith.constant 0 : i32
    return %arg0, %c0_i32, %c0_i32_0 : i32, i32, i32
  }
  func.func @transform_1(%arg0: i32) -> (i32, i32, i32, i32) {
    %c2_i32 = arith.constant 2 : i32
    %c0_i32 = arith.constant 0 : i32
    %c0_i32_0 = arith.constant 0 : i32
    %c0_i32_1 = arith.constant 0 : i32
    return %arg0, %c2_i32, %c0_i32, %c0_i32_0 : i32, i32, i32, i32
  }
  func.func @transform_2(%arg0: i32) -> (i32, i32, i32) {
    %c0_i32 = arith.constant 0 : i32
    %c0_i32_0 = arith.constant 0 : i32
    %c0_i32_1 = arith.constant 0 : i32
    return %arg0, %c0_i32, %c0_i32_0 : i32, i32, i32
  }
  func.func @transform_3(%arg0: i32) -> (i32, i32, i32) {
    %c0_i32 = arith.constant 0 : i32
    %c0_i32_0 = arith.constant 0 : i32
    %c0_i32_1 = arith.constant 0 : i32
    return %arg0, %c0_i32, %c0_i32_0 : i32, i32, i32
  }
}

module attributes {stable_mosaic.version = 14 : i64} {
  func.func @_mlp_body(%arg0: i32, %arg1: memref<48xi32, #tpu.memory_space<smem>>, %arg2: memref<48xi32, #tpu.memory_space<smem>>, %arg3: memref<128x768xf32, #tpu.memory_space<vmem>>, %arg4: memref<1x2x384x768xf32, #tpu.memory_space<vmem>>, %arg5: memref<1x1x768xf32, #tpu.memory_space<vmem>>, %arg6: memref<1x768x768xf32, #tpu.memory_space<vmem>>, %arg7: memref<1x1x768xf32, #tpu.memory_space<vmem>>, %arg8: memref<128x768xf32, #tpu.memory_space<vmem>>) attributes {dimension_semantics = [#tpu.dimension_semantics<arbitrary>], iteration_bounds = array<i64: 48>, scalar_prefetch = 2 : i64, scratch_operands = 0 : i64, tpu.core_type = #tpu.core_type<tc>, window_params = [{transform_indices = @transform_0, window_bounds = array<i64: 128, 768>}, {transform_indices = @transform_1, window_bounds = array<i64: 1, 2, 384, 768>}, {transform_indices = @transform_2, window_bounds = array<i64: 1, 1, 768>}, {transform_indices = @transform_3, window_bounds = array<i64: 1, 768, 768>}, {transform_indices = @transform_4, window_bounds = array<i64: 1, 1, 768>}, {transform_indices = @transform_5, window_bounds = array<i64: 128, 768>}]} {
    %get3A = arith.index_cast %arg0 : i32 to index
    %get3A_0 = memref.load %arg2[%get3A] : memref<48xi32, #tpu.memory_space<smem>>
    %eq3A = arith.constant 0 : i32
    %eq3A_1 = arith.cmpi eq, %get3A_0, %eq3A : i32
    %convert_element_type3A = arith.extui %eq3A_1 : i1 to i32
    %cond3A = arith.constant 0 : i32
    %cond3A_2 = arith.cmpi ne, %convert_element_type3A, %cond3A : i32
    scf.if %cond3A_2 {
      %get3A_9 = arith.constant 0 : index
      %get3A_10 = arith.constant 0 : index
      %get3A_11 = vector.load %arg3[%get3A_9, %get3A_10] : memref<128x768xf32, #tpu.memory_space<vmem>>, vector<128x384xf32>
      %get3A_12 = arith.constant 0 : index
      %get3A_13 = arith.constant 0 : index
      %get3A_14 = arith.constant 0 : index
      %get3A_15 = arith.constant 0 : index
      %get3A_16 = vector.load %arg4[%get3A_12, %get3A_13, %get3A_14, %get3A_15] : memref<1x2x384x768xf32, #tpu.memory_space<vmem>>, vector<1x1x384x768xf32>
      %get3A_17 = vector.shape_cast %get3A_16 : vector<1x1x384x768xf32> to vector<384x768xf32>
      %dot_general3A = arith.constant dense<0.000000e+00> : vector<128x768xf32>
      %dot_general3A_18 = tpu.matmul %get3A_11, %get3A_17, %dot_general3A {dimension_numbers = #tpu.dot_dimension_numbers<[1], [0], [0], [1], [0, 0, 1, 1], [], []>, transpose_lhs_hint = false} : vector<128x384xf32>, vector<384x768xf32>, vector<128x768xf32> -> vector<128x768xf32>
      %get3A_19 = arith.constant 0 : index
      %get3A_20 = arith.constant 384 : index
      %get3A_21 = vector.load %arg3[%get3A_19, %get3A_20] : memref<128x768xf32, #tpu.memory_space<vmem>>, vector<128x384xf32>
      %get3A_22 = arith.constant 0 : index
      %get3A_23 = arith.constant 1 : index
      %get3A_24 = arith.constant 0 : index
      %get3A_25 = arith.constant 0 : index
      %get3A_26 = vector.load %arg4[%get3A_22, %get3A_23, %get3A_24, %get3A_25] : memref<1x2x384x768xf32, #tpu.memory_space<vmem>>, vector<1x1x384x768xf32>
      %get3A_27 = vector.shape_cast %get3A_26 : vector<1x1x384x768xf32> to vector<384x768xf32>
      %dot_general3A_28 = arith.constant dense<0.000000e+00> : vector<128x768xf32>
      %dot_general3A_29 = tpu.matmul %get3A_21, %get3A_27, %dot_general3A_28 {dimension_numbers = #tpu.dot_dimension_numbers<[1], [0], [0], [1], [0, 0, 1, 1], [], []>, transpose_lhs_hint = false} : vector<128x384xf32>, vector<384x768xf32>, vector<128x768xf32> -> vector<128x768xf32>
      %add3A = arith.addf %dot_general3A_18, %dot_general3A_29 : vector<128x768xf32>
      %get3A_30 = arith.constant 0 : index
      %get3A_31 = arith.constant 0 : index
      %get3A_32 = arith.constant 0 : index
      %get3A_33 = vector.load %arg5[%get3A_30, %get3A_31, %get3A_32] : memref<1x1x768xf32, #tpu.memory_space<vmem>>, vector<1x1x768xf32>
      %get3A_34 = vector.shape_cast %get3A_33 : vector<1x1x768xf32> to vector<1x768xf32>
      %add3A_35 = vector.broadcast %get3A_34 : vector<1x768xf32> to vector<128x768xf32>
      %add3A_36 = arith.addf %add3A, %add3A_35 : vector<128x768xf32>
      %max3A = arith.constant 0.000000e+00 : f32
      %max3A_37 = vector.broadcast %max3A : f32 to vector<128x768xf32>
      %max3A_38 = arith.maximumf %add3A_36, %max3A_37 : vector<128x768xf32>
      %get3A_39 = arith.constant 0 : index
      %get3A_40 = arith.constant 0 : index
      %get3A_41 = arith.constant 0 : index
      %get3A_42 = vector.load %arg6[%get3A_39, %get3A_40, %get3A_41] : memref<1x768x768xf32, #tpu.memory_space<vmem>>, vector<1x768x768xf32>
      %get3A_43 = vector.shape_cast %get3A_42 : vector<1x768x768xf32> to vector<768x768xf32>
      %dot_general3A_44 = arith.constant dense<0.000000e+00> : vector<128x768xf32>
      %dot_general3A_45 = tpu.matmul %max3A_38, %get3A_43, %dot_general3A_44 {dimension_numbers = #tpu.dot_dimension_numbers<[1], [0], [0], [1], [0, 0, 1, 1], [], []>, transpose_lhs_hint = false} : vector<128x768xf32>, vector<768x768xf32>, vector<128x768xf32> -> vector<128x768xf32>
      %get3A_46 = arith.constant 0 : index
      %get3A_47 = arith.constant 0 : index
      %get3A_48 = arith.constant 0 : index
      %get3A_49 = vector.load %arg7[%get3A_46, %get3A_47, %get3A_48] : memref<1x1x768xf32, #tpu.memory_space<vmem>>, vector<1x1x768xf32>
      %get3A_50 = vector.shape_cast %get3A_49 : vector<1x1x768xf32> to vector<1x768xf32>
      %add3A_51 = vector.broadcast %get3A_50 : vector<1x768xf32> to vector<128x768xf32>
      %add3A_52 = arith.addf %dot_general3A_45, %add3A_51 : vector<128x768xf32>
      %max3A_53 = arith.constant 0.000000e+00 : f32
      %max3A_54 = vector.broadcast %max3A_53 : f32 to vector<128x768xf32>
      %max3A_55 = arith.maximumf %add3A_52, %max3A_54 : vector<128x768xf32>
      %swap3A = arith.constant 0 : index
      %swap3A_56 = arith.constant 0 : index
      %swap3A_57 = vector.load %arg8[%swap3A, %swap3A_56] : memref<128x768xf32, #tpu.memory_space<vmem>>, vector<128x768xf32>
      tpu.vector_store %arg8[%swap3A, %swap3A_56], %max3A_55 {strides = array<i32>} : memref<128x768xf32, #tpu.memory_space<vmem>>, vector<128x768xf32>,
    } else {
    }
    %get3A_3 = arith.index_cast %arg0 : i32 to index
    %get3A_4 = memref.load %arg2[%get3A_3] : memref<48xi32, #tpu.memory_space<smem>>
    %ne3A = arith.constant 0 : i32
    %ne3A_5 = arith.cmpi ne, %get3A_4, %ne3A : i32
    %convert_element_type3A_6 = arith.extui %ne3A_5 : i1 to i32
    %cond3A_7 = arith.constant 0 : i32
    %cond3A_8 = arith.cmpi ne, %convert_element_type3A_6, %cond3A_7 : i32
    scf.if %cond3A_8 {
      %get3A_9 = arith.constant 0 : index
      %get3A_10 = arith.constant 0 : index
      %get3A_11 = vector.load %arg3[%get3A_9, %get3A_10] : memref<128x768xf32, #tpu.memory_space<vmem>>, vector<128x768xf32>
      %swap3A = arith.constant 0 : index
      %swap3A_12 = arith.constant 0 : index
      %swap3A_13 = vector.load %arg8[%swap3A, %swap3A_12] : memref<128x768xf32, #tpu.memory_space<vmem>>, vector<128x768xf32>
      tpu.vector_store %arg8[%swap3A, %swap3A_12], %get3A_11 {strides = array<i32>} : memref<128x768xf32, #tpu.memory_space<vmem>>, vector<128x768xf32>,
    } else {
    }
    return
  }
  func.func @transform_0(%arg0: i32, %arg1: memref<48xi32, #tpu.memory_space<smem>>, %arg2: memref<48xi32, #tpu.memory_space<smem>>) -> (i32, i32) {
    %c0_i32 = arith.constant 0 : i32
    %c0_i32_0 = arith.constant 0 : i32
    return %arg0, %c0_i32 : i32, i32
  }
  func.func @transform_1(%arg0: i32, %arg1: memref<48xi32, #tpu.memory_space<smem>>, %arg2: memref<48xi32, #tpu.memory_space<smem>>) -> (i32, i32, i32, i32) {
    %get3A = arith.index_cast %arg0 : i32 to index
    %get3A_0 = memref.load %arg1[%get3A] : memref<48xi32, #tpu.memory_space<smem>>
    %c0_i32 = arith.constant 0 : i32
    %c0_i32_1 = arith.constant 0 : i32
    %c0_i32_2 = arith.constant 0 : i32
    %c0_i32_3 = arith.constant 0 : i32
    return %get3A_0, %c0_i32, %c0_i32_1, %c0_i32_2 : i32, i32, i32, i32
  }
  func.func @transform_2(%arg0: i32, %arg1: memref<48xi32, #tpu.memory_space<smem>>, %arg2: memref<48xi32, #tpu.memory_space<smem>>) -> (i32, i32, i32) {
    %get3A = arith.index_cast %arg0 : i32 to index
    %get3A_0 = memref.load %arg1[%get3A] : memref<48xi32, #tpu.memory_space<smem>>
    %c0_i32 = arith.constant 0 : i32
    %c0_i32_1 = arith.constant 0 : i32
    %c0_i32_2 = arith.constant 0 : i32
    return %get3A_0, %c0_i32, %c0_i32_1 : i32, i32, i32
  }
  func.func @transform_3(%arg0: i32, %arg1: memref<48xi32, #tpu.memory_space<smem>>, %arg2: memref<48xi32, #tpu.memory_space<smem>>) -> (i32, i32, i32) {
    %get3A = arith.index_cast %arg0 : i32 to index
    %get3A_0 = memref.load %arg1[%get3A] : memref<48xi32, #tpu.memory_space<smem>>
    %c0_i32 = arith.constant 0 : i32
    %c0_i32_1 = arith.constant 0 : i32
    %c0_i32_2 = arith.constant 0 : i32
    return %get3A_0, %c0_i32, %c0_i32_1 : i32, i32, i32
  }
  func.func @transform_4(%arg0: i32, %arg1: memref<48xi32, #tpu.memory_space<smem>>, %arg2: memref<48xi32, #tpu.memory_space<smem>>) -> (i32, i32, i32) {
    %get3A = arith.index_cast %arg0 : i32 to index
    %get3A_0 = memref.load %arg1[%get3A] : memref<48xi32, #tpu.memory_space<smem>>
    %c0_i32 = arith.constant 0 : i32
    %c0_i32_1 = arith.constant 0 : i32
    %c0_i32_2 = arith.constant 0 : i32
    return %get3A_0, %c0_i32, %c0_i32_1 : i32, i32, i32
  }
  func.func @transform_5(%arg0: i32, %arg1: memref<48xi32, #tpu.memory_space<smem>>, %arg2: memref<48xi32, #tpu.memory_space<smem>>) -> (i32, i32) {
    %c0_i32 = arith.constant 0 : i32
    %c0_i32_0 = arith.constant 0 : i32
    return %arg0, %c0_i32 : i32, i32
  }
}

</mosaic_0001>

<sc_bundles>
// kernel: kernel.11.cloned.1.call-start
scs
__scs_entry_jumppad:
0x0: {  	(pc) =	sbr.rel $0x88, $3  }
0x1: {  	(tag) =	ssettag $0x0;
	lr =	simm.s32 $0x1  }
0x2: {  	[smem:$0x3F96] =	sst lr;
	_ =	strace $0xD0000000  }
0x3: {  	_ = 	snop  }
0x4: {  	_ = 	snop  }
0x5: {  	_ = 	snop  }
0x6: {  	_ = 	snop  }
0x7: {  	_ = 	snop  }
__scs_overlays_trampoline_lowered:
0x8: {  	[smem:$0x3FA5] =	sst s0  }
0x9: {  	[smem:$0x3FA6] =	sst s1  }
0xa: {  	[smem:$0x3FA7] =	sst s2  }
0xb: {  	[smem:$0x3FA8] =	sst s3  }
0xc: {  	[smem:$0x3FA9] =	sst s4  }
0xd: {  	[smem:$0x3FAA] =	sst s5  }
0xe: {  	[smem:$0x3FAB] =	sst s6  }
0xf: {  	[smem:$0x3FAC] =	sst s7  }
0x10: {  	[smem:$0x3FAD] =	sst s8  }
0x11: {  	[smem:$0x3FAE] =	sst s9;
	s0 =	simm.s32 @!p0 $0x0  }
0x12: {  	s1 =	sld [smem:$0x3F94];
	s0 =	simm.s32 @p0 $0x1  }
0x13: {  	[smem:$0x3FAF] =	sst s0;
	s0 =	simm.s32 @!p1 $0x0  }
0x14: {  	s2 =	sld [smem:$0x3F93];
	s0 =	simm.s32 @p1 $0x1  }
0x15: {  	[smem:$0x3FB0] =	sst s0;
	s0 =	simm.s32 @!p2 $0x0  }
0x16: {  	s3 =	sld [smem:$0x3FDB];
	s0 =	simm.s32 @p2 $0x1  }
0x17: {  	s4 =	simm.s32 $0x1BF5;
	[smem:$0x3FB2] =	sst s0  }
0x18: {  	s0 =	sld [smem:$0x3F95];
	_ =	swait.ge [sflag:s4], $0x0  }
0x19: {  	s7 =	sld [smem:$0x3F96]  }
0x1a: {  	s8 =	sadd.s32 $0xFFFFE003, lr  }
0x1b: {  	s9 =	sadd.s32 $0xFFFFFEF7, lr;
	s5 =	simm.s32 $0xFFFFFFFF;
	p2 =	slt.u32 s8, $0xFFFFF086  }
0x1c: {  	p1 =	slt.u32 s9, $0xF7A;
	s5 =	simm.s32 @!p2 $0x0  }
0x1d: {  	s5 =	simm.s32 @p1 $0x1;
	p0 =	seq.s32 s7, s2  }
0x1e: {  	s7 =	smul.u32 @!p0 $0xF7A, s2;
	p2 =	seq.s32 @!p0 s5, $0x0  }
0x1f: {  	s9 =	smul.u32 $0xF7A, s1;
	s8 =	simm.s32 @!p0 $0x1BF5;
	p2 =	por !p2, p0  }
0x20: {  	[sflag:s8] =	ssyncset.s32 @!p0 $0xFFFFF086;
	s6 =	sadd.s32 @!p0 s3, s7;
	s7 =	simm.s32 @!p0 $0x108  }
0x21: {  	s3 =	sadd.s32 s3, s9;
	s6 =	sadd.s32 @!p0 $0x88, s6;
	s7 =	simm.s32 @p2 $0x1082  }
0x22: {  	[simem:s7], [sflag:s8] =	dma.local @!p0 [hbm:s6], $0xF7A  }
0x23: {  	s9 =	sor.u32 $0xD0000000, s2;
	s6 =	simm.s32 $0x108;
	_ =	swait.ge @!p0 [sflag:s8], $0x0  }
0x24: {  	s3 =	sadd.s32 $0x88, s3;
	s6 =	simm.s32 @!p1 $0x1082;
	[sflag:s4] =	ssyncset.s32 $0xFFFFF086  }
0x25: {  	[simem:s6], [sflag:s4] =	dma.local [hbm:s3], $0xF7A  }
0x26: {  	[smem:$0x3F96] =	sst s1;
	(tag) =	ssettag s2;
	_ =	strace s9  }
0x27: {  	s1 =	sld [smem:$0x3FA6]  }
0x28: {  	s2 =	sld [smem:$0x3FA7]  }
0x29: {  	s4 =	sld [smem:$0x3FA9]  }
0x2a: {  	p0 =	seq.s32 s5, $0x0;
	s5 =	sld [smem:$0x3FAA]  }
0x2b: {  	s6 =	sld [smem:$0x3FAB]  }
0x2c: {  	s7 =	sld [smem:$0x3FAC]  }
0x2d: {  	s3 =	simm.s32 $0x108;
	s8 =	sld [smem:$0x3FAD]  }
0x2e: {  	s3 =	simm.s32 @!p0 $0x1082;
	s9 =	sld [smem:$0x3FAE]  }
0x2f: {  	lr =	sadd.s32 s0, s3;
	s0 =	sld [smem:$0x3FA5]  }
0x30: {  	s3 =	sld [smem:$0x3FA8]  }
0x31: {  	[smem:$0x3FB1] =	sst s10  }
0x32: {  	s10 =	sld [smem:$0x3FAF];
	_ =	sdelay $0x3  }
0x33: {  	p0 =	seq.s32 s10, $0x1;
	s10 =	sld [smem:$0x3FB1];
	_ =	sdelay $0x3  }
0x34: {  	[smem:$0x3FB1] =	sst s10  }
0x35: {  	s10 =	sld [smem:$0x3FB0];
	_ =	sdelay $0x3  }
0x36: {  	p1 =	seq.s32 s10, $0x1;
	s10 =	sld [smem:$0x3FB1];
	_ =	sdelay $0x3  }
0x37: {  	[smem:$0x3FB1] =	sst s10  }
0x38: {  	s10 =	sld [smem:$0x3FB2]  }
0x39: {  	_ = 	snop;
	(pc) =	sbr.ind lr, $3  }
0x3a: {  	_ = 	snop  }
0x3b: {  	_ = 	snop  }
0x3c: {  	p2 =	seq.s32 s10, $0x1;
	s10 =	sld [smem:$0x3FB1]  }
0x3d: {  	_ =	shalt  }
0x3e: {  	_ =	shalt  }
0x3f: {  	_ =	shalt  }
0x40: {  	_ =	shalt  }
0x41: {  	_ =	shalt  }
0x42: {  	_ =	shalt  }
0x43: {  	_ =	shalt  }
0x44: {  	_ =	shalt  }
0x45: {  	_ =	shalt  }
0x46: {  	_ =	shalt  }
0x47: {  	_ =	shalt  }
0x48: {  	_ =	shalt  }
0x49: {  	_ =	shalt  }
0x4a: {  	_ =	shalt  }
0x4b: {  	_ =	shalt  }
0x4c: {  	_ =	shalt  }
0x4d: {  	_ =	shalt  }
0x4e: {  	_ =	shalt  }
0x4f: {  	_ =	shalt  }
0x50: {  	_ =	shalt  }
0x51: {  	_ =	shalt  }
0x52: {  	_ =	shalt  }
0x53: {  	_ =	shalt  }
0x54: {  	_ =	shalt  }
0x55: {  	_ =	shalt  }
0x56: {  	_ =	shalt  }
0x57: {  	_ =	shalt  }
0x58: {  	_ =	shalt  }
0x59: {  	_ =	shalt  }
0x5a: {  	_ =	shalt  }
0x5b: {  	_ =	shalt  }
0x5c: {  	_ =	shalt  }
0x5d: {  	_ =	shalt  }
0x5e: {  	_ =	shalt  }
0x5f: {  	_ =	shalt  }
0x60: {  	_ =	shalt  }
0x61: {  	_ =	shalt  }
0x62: {  	_ =	shalt  }
0x63: {  	_ =	shalt  }
0x64: {  	_ =	shalt  }
0x65: {  	_ =	shalt  }
0x66: {  	_ =	shalt  }
0x67: {  	_ =	shalt  }
0x68: {  	_ =	shalt  }
0x69: {  	_ =	shalt  }
0x6a: {  	_ =	shalt  }
0x6b: {  	_ =	shalt  }
0x6c: {  	_ =	shalt  }
0x6d: {  	_ =	shalt  }
0x6e: {  	_ =	shalt  }
0x6f: {  	_ =	shalt  }
0x70: {  	_ =	shalt  }
0x71: {  	_ =	shalt  }
0x72: {  	_ =	shalt  }
0x73: {  	_ =	shalt  }
0x74: {  	_ =	shalt  }
0x75: {  	_ =	shalt  }
0x76: {  	_ =	shalt  }
0x77: {  	_ =	shalt  }
0x78: {  	_ =	shalt  }
0x79: {  	_ =	shalt  }
0x7a: {  	_ =	shalt  }
0x7b: {  	_ =	shalt  }
0x7c: {  	_ =	shalt  }
0x7d: {  	_ =	shalt  }
0x7e: {  	_ =	shalt  }
0x7f: {  	_ =	shalt  }
0x80: {  	_ =	shalt  }
0x81: {  	_ =	shalt  }
0x82: {  	_ =	shalt  }
0x83: {  	_ =	shalt  }
0x84: {  	_ =	shalt  }
0x85: {  	_ =	shalt  }
0x86: {  	_ =	shalt  }
0x87: {  	_ =	shalt  }
.Lfunc_end0:
.L_simem_size_0:
called_computation.1_lowered:
.L_overlay_start_0:
0x88: {  	s2 =	sld [smem:$0x3FD9]  }
0x89: {  	s3 =	sld [smem:$0x3FFE];
	_ =	sdelay $0x1  }
0x8a: {  	s1 =	srdreg.scid  }
0x8b: {  	s0 =	sand.u32 $0x1, s1  }
0x8c: {  	s17 =	sshll.u32 s0, $0xA;
	s2 =	sadd.s32 s3, s2  }
0x8d: {  	s2 =	sadd.s32 s2, s17  }
0x8e: {  	[smem:$0x3FBD] =	sst s2  }
0x8f: {  	_ = 	snop  }
0x90: {  	s2 =	sld [smem:$0x3FD0];
	(tm) =	ssettm $0x1  }
0x91: {  	s18 =	sld [smem:$0x3FFB];
	_ =	sdelay $0x3  }
0x92: {  	_ =	strace s18  }
0x93: {  	s3 =	sld [smem:$0x3FFC];
	_ =	sdelay $0x3  }
0x94: {  	_ =	strace s3  }
0x95: {  	s3 =	sld [smem:$0x3FFD];
	_ =	sdelay $0x3  }
0x96: {  	_ =	strace s3  }
0x97: {  	_ =	strace $0x8FFFFFFF  }
0x98: {  	s19 =	sld [smem:$0x3FDB];
	_ =	sdelay $0x1  }
0x99: {  	s4 =	simm.s32 $_scs_section_size  }
0x9a: {  	s5 =	simm.s32 $_size__tile_overlayer_lowered;
	s6 =	simm.s32 $_tile_overlayer_lowered  }
0x9b: {  	s22 =	simm.s32 $0x1BFF;
	s21 =	sshll.u32 s6, $0x1;
	s3 =	sadd.s32 s4, s19  }
0x9c: {  	s7 =	simm.s32 $0x0;
	s20 =	sshll.u32 s5, $0x1;
	s5 =	sadd.s32 s21, s3  }
0x9d: {  	[timem:s7], [sflag:s22] =	dma.local [hbm:s5], s20  }
0x9e: {  	_ =	swait.ge [sflag:s22], s20  }
0x9f: {  	s4 =	ssub.s32 $0x0, s20;
	[sflag:s22] =	ssyncset.done $0x0  }
0xa0: {  	[sflag:s22] =	ssyncadd.s32 s4;
	_ =	sdelay $0x1  }
0xa1: {  	s23 =	simm.s32 $0x1B8B  }
0xa2: {  	_ =	swait.ge [sflag:s23], $0x1  }
0xa3: {  	[sflag:s23] =	ssyncset.done $0x0  }
0xa4: {  	s25 =	simm.s32 $0x1B8E;
	s24 =	sld [smem:$0x3FFE];
	[sflag:s23] =	ssyncadd.s32 $0xFFFFFFFF  }
0xa5: {  	s26 =	simm.s32 $execute0_lowered;
	[smem:$0x3FD2] =	sst s25  }
0xa6: {  	s5 =	sshll.u32 s26, $0x1;
	_ =	strace $0x80000049;
	[dreg:$0x1] =	wrdreg $0xFFFFFFFF  }
0xa7: {  	s28 =	simm.s32 $_size_execute0_lowered;
	s3 =	sadd.s32 s3, s5;
	[dreg:$0x0] =	wrdreg $0x0  }
0xa8: {  	s5 =	sshll.u32 s28, $0x1;
	[dreg:$0x2] =	wrdreg s3  }
0xa9: {  	[dreg:$0x3] =	wrdreg s5  }
0xaa: {  	[dreg:$0x4] =	wrdreg $0xC0  }
0xab: {  	_ =	task [dreg:s7], $0x5FFFF  }
0xac: {  	[dreg:$0x1] =	wrdreg $0xFFFFFFFF  }
0xad: {  	[dreg:$0x0] =	wrdreg $0x60  }
0xae: {  	[dreg:$0x2] =	wrdreg s24  }
0xaf: {  	[dreg:$0x3] =	wrdreg s2  }
0xb0: {  	[dreg:$0x4] =	wrdreg $0x9  }
0xb1: {  	_ =	task.clear_ibuf [dreg:s7], $0x5FFFF;
	_ =	strace $0x90000049  }
0xb2: {  	s29 =	simm.s32 $0x9;
	_ =	strace $0x8000004B  }
0xb3: {  	_ =	swait.ge [sflag:s29], $0x1  }
0xb4: {  	[sflag:s29] =	ssyncadd.s32 $0xFFFFFFFF  }
0xb5: {  	_ =	strace $0x9000004B  }
0xb6: {  	_ =	sfence  }
0xb7: {  	s30 =	sld [smem:$0x0];
	_ =	sdelay $0x2  }
0xb8: {  	s31 =	sshll.u32 s1, $0xD;
	s1 =	sshrl.u32 s1, $0x2  }
0xb9: {  	s3 =	sand.u32 $0x4000, s31;
	s1 =	sadd.s32 s1, s30  }
0xba: {  	s0 =	sor.u32 s3, s0;
	s1 =	sshll.u32 s1, $0x11  }
0xbb: {  	s0 =	sor.u32 s1, s0  }
0xbc: {  	s0 =	sadd.s32 $0x8F2B, s0  }
0xbd: {  	[sflag:s0] =	ssyncadd.remote.s32 $0x1  }
0xbe: {  	_ =	sfence.sel $0xFFFF  }
0xbf: {  	[dreg:$0x0] =	wrdreg $0xFFFFFFFF;
	(pc) =	sbr.abs _section_cstart, $3  }
0xc0: {  	[dreg:$0x1] =	wrdreg $0xFFFFFFFF  }
0xc1: {  	_ =	task.clear_ibuf [dreg:s7], $0x2FFFF;
	_ =	strace $0x9FFFFFFF  }
0xc2: {  	(tm) =	ssettm $0x7FFFFFFF  }
0xc3: {  	_ =	shalt  }
tec
execute0_lowered:
.L_overlay_start_1:
0x0: {  	(tag) =	ssettag $0x1  }
0x1: {  	s2 =	rddreg [dreg:$0x0];
	s1 =	srdreg.scid  }
0x2: {  	s0 =	stileid.u32;
	s5 =	rddreg [dreg:$0x1];
	s3 =	simm.s32 $0x0  }
0x3: {  	s26 =	simm.s32 $0x880;
	s9 =	simm.s32 $0x1080;
	s10 =	simm.s32 $0x1880  }
0x4: {  	s11 =	simm.s32 $0x2080;
	s12 =	simm.s32 $0x2880;
	s13 =	simm.s32 $0x3080  }
0x5: {  	s14 =	simm.s32 $0x3880;
	s15 =	simm.s32 $0x4080;
	s16 =	simm.s32 $0x4880  }
0x6: {  	s17 =	simm.s32 $0x5080;
	s18 =	simm.s32 $0x5880;
	s19 =	simm.s32 $0x6080  }
0x7: {  	s20 =	simm.s32 $0x6880;
	s21 =	simm.s32 $0x7080;
	s22 =	simm.s32 $0x7880  }
0x8: {  	s23 =	simm.s32 $0x8080;
	s28 =	simm.s32 $0xA080;
	s29 =	simm.s32 $0xA880  }
0x9: {  	s30 =	simm.s32 $0xB080;
	s1 =	sand.u32 $0x1, s1;
	s4 =	sshll.u32 s0, $0x1  }
0xa: {  	s31 =	simm.s32 $0xB880;
	[smem:$0x7FF] =	sst s3;
	s4 =	sor.u32 s1, s4  }
0xb: {  	s1 =	ssub.s32 $0x2, s1;
	_ =	strace $0x8000004A;
	[dreg:$0x5] =	wrdreg s26  }
0xc: {  	s26 =	simm.s32 $0x9880;
	s6 =	sshll.u32 s4, $0x4;
	s7 =	sshrl.u32 s1, $0x1  }
0xd: {  	s8 =	smul.u32 $0x1800, s4;
	s4 =	sadd.s32 $0x100, s2;
	s6 =	sadd.s32 s6, s2  }
0xe: {  	s1 =	ssub.s32 s1, s7;
	s7 =	simm.s32 $0x2;
	s24 =	sadd.s32 $0x90200, s6  }
0xf: {  	v2 =	vlaneseq.u32;
	s25 =	sadd.s32 s5, s8;
	s5 =	sadd.s32 $0x200, s2;
	s6 =	smax.u32 s1, $0x1  }
0x10: {  	vm0 =	vmmov $0xffff;
	v1 =	vshrl.u32 v2, $0x3;
	s8 =	simm.s32 $0x80;
	s1 =	simm.s32 $0x1;
	[dreg:$0x3] =	wrdreg s24  }
0x11: {  	v0 =	vand.u32 $0x7, v2;
	v2 =	vor.u32 $0x8, v2;
	v1 =	vmul.u32 $0x8, v1;
	[dreg:$0x4] =	wrdreg s25;
	s24 =	simm.s32 $0x8880;
	s25 =	simm.s32 $0x9080  }
.LBB2_1:
0x12: {  	s0 =	rddreg [dreg:$0x3]  }
0x13: {  	[tilespmem:s3], [sflag:$0x2] =	stream.linear.gather [hbm4b:s0+s3], $0x80, $0x38;
	[tilespmem:$0xC080] =	vst v63  }
0x14: {  	_ =	swait.ge [sflag:s7], $0x80  }
0x15: {  	[sflag:s7] =	ssyncset.done $0x0  }
0x16: {  	[sflag:s7] =	ssyncadd.s32 $0xFFFFFF80  }
0x17: {  	v3 =	vld [tilespmem:$0x0];
	_ =	sdelay $0x4  }
0x18: {  	v4 =	vshrl.u32 v3, $0x3  }
0x19: {  	v4 =	vmul.u32 $0x30, v4  }
0x1a: {  	v3 =	vand.u32 $0x7, v3  }
0x1b: {  	v3 =	vor.u32 v3, v4  }
0x1c: {  	v4 =	vperm.xlane v3, v0;
	_ =	sdelay $0x1  }
0x1d: {  	v4 =	vadd.s32 v1, v4;
	_ =	sdelay $0x3  }
0x1e: {  	v3 =	vperm.xlane v3, v2  }
0x1f: {  	[tilespmem:s8], [sflag:$0x1] =	stream.indirect_vreg.gather [hbm4b:s2+s3], $0x80, v4, vm0, $0xb8;
	[tilespmem:$0xC080] =	vst v63  }
0x20: {  	s0 =	rddreg [dreg:$0x5];
	v3 =	vadd.s32 v1, v3  }
0x21: {  	[tilespmem:s0], [sflag:$0x1] =	stream.indirect_vreg.gather [hbm4b:s4+s3], $0x80, v4, vm0, $0xb8;
	[tilespmem:$0xC080] =	vst v63  }
0x22: {  	_ = 	snop  }
0x23: {  	[tilespmem:s9], [sflag:$0x1] =	stream.indirect_vreg.gather [hbm4b:s5+s3], $0x80, v4, vm0, $0xb8;
	[tilespmem:$0xC080] =	vst v63  }
0x24: {  	_ = 	snop  }
0x25: {  	[tilespmem:s10], [sflag:$0x1] =	stream.indirect_vreg.gather [hbm4b:s2+s3], $0x80, v3, vm0, $0xb8;
	[tilespmem:$0xC080] =	vst v63  }
0x26: {  	_ = 	snop  }
0x27: {  	[tilespmem:s11], [sflag:$0x1] =	stream.indirect_vreg.gather [hbm4b:s4+s3], $0x80, v3, vm0, $0xb8;
	[tilespmem:$0xC080] =	vst v63  }
0x28: {  	_ = 	snop  }
0x29: {  	[tilespmem:s12], [sflag:$0x1] =	stream.indirect_vreg.gather [hbm4b:s5+s3], $0x80, v3, vm0, $0xb8;
	[tilespmem:$0xC080] =	vst v63  }
0x2a: {  	v3 =	vld [tilespmem:$0x10];
	_ =	sdelay $0x4  }
0x2b: {  	v61 =	vshrl.u32 v3, $0x3  }
0x2c: {  	v4 =	vmul.u32 $0x30, v61  }
0x2d: {  	v3 =	vand.u32 $0x7, v3  }
0x2e: {  	v3 =	vor.u32 v3, v4  }
0x2f: {  	v4 =	vperm.xlane v3, v0;
	_ =	sdelay $0x1  }
0x30: {  	v4 =	vadd.s32 v1, v4;
	_ =	sdelay $0x3  }
0x31: {  	v3 =	vperm.xlane v3, v2  }
0x32: {  	[tilespmem:s13], [sflag:$0x1] =	stream.indirect_vreg.gather [hbm4b:s2+s3], $0x80, v4, vm0, $0xb8;
	[tilespmem:$0xC080] =	vst v63  }
0x33: {  	v3 =	vadd.s32 v1, v3  }
0x34: {  	[tilespmem:s14], [sflag:$0x1] =	stream.indirect_vreg.gather [hbm4b:s4+s3], $0x80, v4, vm0, $0xb8;
	[tilespmem:$0xC080] =	vst v63  }
0x35: {  	_ = 	snop  }
0x36: {  	[tilespmem:s15], [sflag:$0x1] =	stream.indirect_vreg.gather [hbm4b:s5+s3], $0x80, v4, vm0, $0xb8;
	[tilespmem:$0xC080] =	vst v63  }
0x37: {  	_ = 	snop  }
0x38: {  	[tilespmem:s16], [sflag:$0x1] =	stream.indirect_vreg.gather [hbm4b:s2+s3], $0x80, v3, vm0, $0xb8;
	[tilespmem:$0xC080] =	vst v63  }
0x39: {  	_ = 	snop  }
0x3a: {  	[tilespmem:s17], [sflag:$0x1] =	stream.indirect_vreg.gather [hbm4b:s4+s3], $0x80, v3, vm0, $0xb8;
	[tilespmem:$0xC080] =	vst v63  }
0x3b: {  	_ = 	snop  }
0x3c: {  	[tilespmem:s18], [sflag:$0x1] =	stream.indirect_vreg.gather [hbm4b:s5+s3], $0x80, v3, vm0, $0xb8;
	[tilespmem:$0xC080] =	vst v63  }
0x3d: {  	v3 =	vld [tilespmem:$0x20];
	_ =	sdelay $0x4  }
0x3e: {  	v62 =	vshrl.u32 v3, $0x3  }
0x3f: {  	v4 =	vmul.u32 $0x30, v62  }
0x40: {  	v3 =	vand.u32 $0x7, v3  }
0x41: {  	v3 =	vor.u32 v3, v4  }
0x42: {  	v4 =	vperm.xlane v3, v0;
	_ =	sdelay $0x1  }
0x43: {  	v4 =	vadd.s32 v1, v4;
	_ =	sdelay $0x3  }
0x44: {  	v3 =	vperm.xlane v3, v2  }
0x45: {  	[tilespmem:s19], [sflag:$0x1] =	stream.indirect_vreg.gather [hbm4b:s2+s3], $0x80, v4, vm0, $0xb8;
	[tilespmem:$0xC080] =	vst v63  }
0x46: {  	v3 =	vadd.s32 v1, v3  }
0x47: {  	[tilespmem:s20], [sflag:$0x1] =	stream.indirect_vreg.gather [hbm4b:s4+s3], $0x80, v4, vm0, $0xb8;
	[tilespmem:$0xC080] =	vst v63  }
0x48: {  	_ = 	snop  }
0x49: {  	[tilespmem:s21], [sflag:$0x1] =	stream.indirect_vreg.gather [hbm4b:s5+s3], $0x80, v4, vm0, $0xb8;
	[tilespmem:$0xC080] =	vst v63  }
0x4a: {  	_ = 	snop  }
0x4b: {  	[tilespmem:s22], [sflag:$0x1] =	stream.indirect_vreg.gather [hbm4b:s2+s3], $0x80, v3, vm0, $0xb8;
	[tilespmem:$0xC080] =	vst v63  }
0x4c: {  	_ = 	snop  }
0x4d: {  	[tilespmem:s23], [sflag:$0x1] =	stream.indirect_vreg.gather [hbm4b:s4+s3], $0x80, v3, vm0, $0xb8;
	[tilespmem:$0xC080] =	vst v63  }
0x4e: {  	_ = 	snop  }
0x4f: {  	[tilespmem:s24], [sflag:$0x1] =	stream.indirect_vreg.gather [hbm4b:s5+s3], $0x80, v3, vm0, $0xb8;
	[tilespmem:$0xC080] =	vst v63  }
0x50: {  	v3 =	vld [tilespmem:$0x30];
	_ =	sdelay $0x4  }
0x51: {  	v63 =	vshrl.u32 v3, $0x3  }
0x52: {  	v4 =	vmul.u32 $0x30, v63  }
0x53: {  	v3 =	vand.u32 $0x7, v3  }
0x54: {  	v3 =	vor.u32 v3, v4  }
0x55: {  	v4 =	vperm.xlane v3, v0;
	_ =	sdelay $0x1  }
0x56: {  	v4 =	vadd.s32 v1, v4;
	_ =	sdelay $0x3  }
0x57: {  	v3 =	vperm.xlane v3, v2  }
0x58: {  	[tilespmem:s25], [sflag:$0x1] =	stream.indirect_vreg.gather [hbm4b:s2+s3], $0x80, v4, vm0, $0xb8;
	[tilespmem:$0xC080] =	vst v63  }
0x59: {  	v3 =	vadd.s32 v1, v3  }
0x5a: {  	[tilespmem:s26], [sflag:$0x1] =	stream.indirect_vreg.gather [hbm4b:s4+s3], $0x80, v4, vm0, $0xb8;
	[tilespmem:$0xC080] =	vst v63  }
0x5b: {  	_ = 	snop  }
0x5c: {  	[tilespmem:s28], [sflag:$0x1] =	stream.indirect_vreg.gather [hbm4b:s5+s3], $0x80, v4, vm0, $0xb8;
	[tilespmem:$0xC080] =	vst v63  }
0x5d: {  	_ = 	snop  }
0x5e: {  	[tilespmem:s29], [sflag:$0x1] =	stream.indirect_vreg.gather [hbm4b:s2+s3], $0x80, v3, vm0, $0xb8;
	[tilespmem:$0xC080] =	vst v63  }
0x5f: {  	_ = 	snop  }
0x60: {  	[tilespmem:s30], [sflag:$0x1] =	stream.indirect_vreg.gather [hbm4b:s4+s3], $0x80, v3, vm0, $0xb8;
	[tilespmem:$0xC080] =	vst v63  }
0x61: {  	_ = 	snop  }
0x62: {  	[tilespmem:s31], [sflag:$0x1] =	stream.indirect_vreg.gather [hbm4b:s5+s3], $0x80, v3, vm0, $0xb8;
	[tilespmem:$0xC080] =	vst v63  }
0x63: {  	_ =	swait.ge [sflag:s1], $0xC000  }
0x64: {  	p0 =	sne.s32 s6, $0x1;
	[sflag:s1] =	ssyncset.done $0x0  }
.Ltmp0:
0x65: {  	s0 =	rddreg [dreg:$0x4];
	[sflag:s1] =	ssyncadd.s32 $0xFFFF4000;
	(pc) =	sbr.rel @p0 .LBB2_1-.Ltmp0, $4  }
0x66: {  	[hbm4b:s0+s3] =	stream.linear.scatter [tilespmem:s8], [sflag:$0x2], $0xC000, $0x38;
	[tilespmem:$0xC080] =	vst v63  }
0x67: {  	_ =	swait.ge [sflag:s7], $0xC000  }
0x68: {  	[sflag:s7] =	ssyncset.done $0x0  }
0x69: {  	s6 =	sadd.s32 $0xFFFFFFFF, s6;
	[sflag:s7] =	ssyncadd.s32 $0xFFFF4000  }
0x6a: {  	_ =	sfence.sel $0x180000  }
0x6b: {  	[bflag:$0x0] =	sbarrier.arrive $0xFFFF  }
0x6c: {  	_ =	strace $0x9000004A  }
0x6d: {  	s0 =	stileid.u32;
	[bflag:$0x2] =	sbarrier.arrive $0xFFFF  }
0x6e: {  	p0 =	sne.s32 s0, $0x0;
	s0 =	rddreg [dreg:$0x2]  }
0x6f: {  	s0 =	sadd.s32 @!p0 $0x100000, s0  }
0x70: {  	[sflag:s0] =	ssyncadd.tile.s32 @!p0 $0x1;
	_ =	shalt  }
.Lfunc_end2:
_tile_overlayer_lowered:
.L_overlay_start_2:
0x71: {  	(tag) =	ssettag $0x2  }
0x72: {  	s0 =	rddreg [dreg:$0x0];
	s2 =	stileid.u32  }
0x73: {  	s1 =	rddreg [dreg:$0x1];
	p0 =	sne.s32 s2, $0x0  }
0x74: {  	s3 =	rddreg [dreg:$0x2];
	[bflag:$0x3] =	sbarrier.arrive $0xFFFF;
	s2 =	simm.s32 @!p0 $0x1C02  }
0x75: {  	[timem:s3], [sflag:s2] =	dma.local @!p0 [hbm:s0], s1  }
0x76: {  	s0 =	simm.s32 @!p0 $0x2  }
0x77: {  	_ =	swait.ge @!p0 [sflag:s0], s1  }
0x78: {  	s1 =	ssub.s32 @!p0 $0x0, s1;
	[sflag:s0] =	ssyncset.done @!p0 $0x0  }
0x79: {  	[sflag:s0] =	ssyncadd.s32 @!p0 s1  }
0x7a: {  	[bflag:$0x3] =	sbarrier.arrive $0xFFFF  }
0x7b: {  	_ =	shalt  }

// kernel: kernel.8.cloned.1.call-start
scs
__scs_entry_jumppad:
0x0: {  	(pc) =	sbr.rel $0x88, $3  }
0x1: {  	(tag) =	ssettag $0x0;
	lr =	simm.s32 $0x1  }
0x2: {  	[smem:$0x3F96] =	sst lr;
	_ =	strace $0xD0000000  }
0x3: {  	_ = 	snop  }
0x4: {  	_ = 	snop  }
0x5: {  	_ = 	snop  }
0x6: {  	_ = 	snop  }
0x7: {  	_ = 	snop  }
__scs_overlays_trampoline_lowered:
0x8: {  	[smem:$0x3FA5] =	sst s0  }
0x9: {  	[smem:$0x3FA6] =	sst s1  }
0xa: {  	[smem:$0x3FA7] =	sst s2  }
0xb: {  	[smem:$0x3FA8] =	sst s3  }
0xc: {  	[smem:$0x3FA9] =	sst s4  }
0xd: {  	[smem:$0x3FAA] =	sst s5  }
0xe: {  	[smem:$0x3FAB] =	sst s6  }
0xf: {  	[smem:$0x3FAC] =	sst s7  }
0x10: {  	[smem:$0x3FAD] =	sst s8  }
0x11: {  	[smem:$0x3FAE] =	sst s9;
	s0 =	simm.s32 @!p0 $0x0  }
0x12: {  	s1 =	sld [smem:$0x3F94];
	s0 =	simm.s32 @p0 $0x1  }
0x13: {  	[smem:$0x3FAF] =	sst s0;
	s0 =	simm.s32 @!p1 $0x0  }
0x14: {  	s2 =	sld [smem:$0x3F93];
	s0 =	simm.s32 @p1 $0x1  }
0x15: {  	[smem:$0x3FB0] =	sst s0;
	s0 =	simm.s32 @!p2 $0x0  }
0x16: {  	s3 =	sld [smem:$0x3FDB];
	s0 =	simm.s32 @p2 $0x1  }
0x17: {  	s4 =	simm.s32 $0x1BF5;
	[smem:$0x3FB2] =	sst s0  }
0x18: {  	s0 =	sld [smem:$0x3F95];
	_ =	swait.ge [sflag:s4], $0x0  }
0x19: {  	s7 =	sld [smem:$0x3F96]  }
0x1a: {  	s8 =	sadd.s32 $0xFFFFE003, lr  }
0x1b: {  	s9 =	sadd.s32 $0xFFFFFEF7, lr;
	s5 =	simm.s32 $0xFFFFFFFF;
	p2 =	slt.u32 s8, $0xFFFFF086  }
0x1c: {  	p1 =	slt.u32 s9, $0xF7A;
	s5 =	simm.s32 @!p2 $0x0  }
0x1d: {  	s5 =	simm.s32 @p1 $0x1;
	p0 =	seq.s32 s7, s2  }
0x1e: {  	s7 =	smul.u32 @!p0 $0xF7A, s2;
	p2 =	seq.s32 @!p0 s5, $0x0  }
0x1f: {  	s9 =	smul.u32 $0xF7A, s1;
	s8 =	simm.s32 @!p0 $0x1BF5;
	p2 =	por !p2, p0  }
0x20: {  	[sflag:s8] =	ssyncset.s32 @!p0 $0xFFFFF086;
	s6 =	sadd.s32 @!p0 s3, s7;
	s7 =	simm.s32 @!p0 $0x108  }
0x21: {  	s3 =	sadd.s32 s3, s9;
	s6 =	sadd.s32 @!p0 $0x88, s6;
	s7 =	simm.s32 @p2 $0x1082  }
0x22: {  	[simem:s7], [sflag:s8] =	dma.local @!p0 [hbm:s6], $0xF7A  }
0x23: {  	s9 =	sor.u32 $0xD0000000, s2;
	s6 =	simm.s32 $0x108;
	_ =	swait.ge @!p0 [sflag:s8], $0x0  }
0x24: {  	s3 =	sadd.s32 $0x88, s3;
	s6 =	simm.s32 @!p1 $0x1082;
	[sflag:s4] =	ssyncset.s32 $0xFFFFF086  }
0x25: {  	[simem:s6], [sflag:s4] =	dma.local [hbm:s3], $0xF7A  }
0x26: {  	[smem:$0x3F96] =	sst s1;
	(tag) =	ssettag s2;
	_ =	strace s9  }
0x27: {  	s1 =	sld [smem:$0x3FA6]  }
0x28: {  	s2 =	sld [smem:$0x3FA7]  }
0x29: {  	s4 =	sld [smem:$0x3FA9]  }
0x2a: {  	p0 =	seq.s32 s5, $0x0;
	s5 =	sld [smem:$0x3FAA]  }
0x2b: {  	s6 =	sld [smem:$0x3FAB]  }
0x2c: {  	s7 =	sld [smem:$0x3FAC]  }
0x2d: {  	s3 =	simm.s32 $0x108;
	s8 =	sld [smem:$0x3FAD]  }
0x2e: {  	s3 =	simm.s32 @!p0 $0x1082;
	s9 =	sld [smem:$0x3FAE]  }
0x2f: {  	lr =	sadd.s32 s0, s3;
	s0 =	sld [smem:$0x3FA5]  }
0x30: {  	s3 =	sld [smem:$0x3FA8]  }
0x31: {  	[smem:$0x3FB1] =	sst s10  }
0x32: {  	s10 =	sld [smem:$0x3FAF];
	_ =	sdelay $0x3  }
0x33: {  	p0 =	seq.s32 s10, $0x1;
	s10 =	sld [smem:$0x3FB1];
	_ =	sdelay $0x3  }
0x34: {  	[smem:$0x3FB1] =	sst s10  }
0x35: {  	s10 =	sld [smem:$0x3FB0];
	_ =	sdelay $0x3  }
0x36: {  	p1 =	seq.s32 s10, $0x1;
	s10 =	sld [smem:$0x3FB1];
	_ =	sdelay $0x3  }
0x37: {  	[smem:$0x3FB1] =	sst s10  }
0x38: {  	s10 =	sld [smem:$0x3FB2]  }
0x39: {  	_ = 	snop;
	(pc) =	sbr.ind lr, $3  }
0x3a: {  	_ = 	snop  }
0x3b: {  	_ = 	snop  }
0x3c: {  	p2 =	seq.s32 s10, $0x1;
	s10 =	sld [smem:$0x3FB1]  }
0x3d: {  	_ =	shalt  }
0x3e: {  	_ =	shalt  }
0x3f: {  	_ =	shalt  }
0x40: {  	_ =	shalt  }
0x41: {  	_ =	shalt  }
0x42: {  	_ =	shalt  }
0x43: {  	_ =	shalt  }
0x44: {  	_ =	shalt  }
0x45: {  	_ =	shalt  }
0x46: {  	_ =	shalt  }
0x47: {  	_ =	shalt  }
0x48: {  	_ =	shalt  }
0x49: {  	_ =	shalt  }
0x4a: {  	_ =	shalt  }
0x4b: {  	_ =	shalt  }
0x4c: {  	_ =	shalt  }
0x4d: {  	_ =	shalt  }
0x4e: {  	_ =	shalt  }
0x4f: {  	_ =	shalt  }
0x50: {  	_ =	shalt  }
0x51: {  	_ =	shalt  }
0x52: {  	_ =	shalt  }
0x53: {  	_ =	shalt  }
0x54: {  	_ =	shalt  }
0x55: {  	_ =	shalt  }
0x56: {  	_ =	shalt  }
0x57: {  	_ =	shalt  }
0x58: {  	_ =	shalt  }
0x59: {  	_ =	shalt  }
0x5a: {  	_ =	shalt  }
0x5b: {  	_ =	shalt  }
0x5c: {  	_ =	shalt  }
0x5d: {  	_ =	shalt  }
0x5e: {  	_ =	shalt  }
0x5f: {  	_ =	shalt  }
0x60: {  	_ =	shalt  }
0x61: {  	_ =	shalt  }
0x62: {  	_ =	shalt  }
0x63: {  	_ =	shalt  }
0x64: {  	_ =	shalt  }
0x65: {  	_ =	shalt  }
0x66: {  	_ =	shalt  }
0x67: {  	_ =	shalt  }
0x68: {  	_ =	shalt  }
0x69: {  	_ =	shalt  }
0x6a: {  	_ =	shalt  }
0x6b: {  	_ =	shalt  }
0x6c: {  	_ =	shalt  }
0x6d: {  	_ =	shalt  }
0x6e: {  	_ =	shalt  }
0x6f: {  	_ =	shalt  }
0x70: {  	_ =	shalt  }
0x71: {  	_ =	shalt  }
0x72: {  	_ =	shalt  }
0x73: {  	_ =	shalt  }
0x74: {  	_ =	shalt  }
0x75: {  	_ =	shalt  }
0x76: {  	_ =	shalt  }
0x77: {  	_ =	shalt  }
0x78: {  	_ =	shalt  }
0x79: {  	_ =	shalt  }
0x7a: {  	_ =	shalt  }
0x7b: {  	_ =	shalt  }
0x7c: {  	_ =	shalt  }
0x7d: {  	_ =	shalt  }
0x7e: {  	_ =	shalt  }
0x7f: {  	_ =	shalt  }
0x80: {  	_ =	shalt  }
0x81: {  	_ =	shalt  }
0x82: {  	_ =	shalt  }
0x83: {  	_ =	shalt  }
0x84: {  	_ =	shalt  }
0x85: {  	_ =	shalt  }
0x86: {  	_ =	shalt  }
0x87: {  	_ =	shalt  }
.Lfunc_end0:
.L_simem_size_0:
called_computation_lowered:
.L_overlay_start_0:
0x88: {  	s2 =	sld [smem:$0x3FD9]  }
0x89: {  	s3 =	sld [smem:$0x3FFE];
	_ =	sdelay $0x1  }
0x8a: {  	s1 =	srdreg.scid  }
0x8b: {  	s0 =	sand.u32 $0x1, s1  }
0x8c: {  	s17 =	sshll.u32 s0, $0xA;
	s2 =	sadd.s32 s3, s2  }
0x8d: {  	s2 =	sadd.s32 s2, s17  }
0x8e: {  	[smem:$0x3FBD] =	sst s2  }
0x8f: {  	_ = 	snop  }
0x90: {  	s2 =	sld [smem:$0x3FC9]  }
0x91: {  	s18 =	sld [smem:$0x3FD0];
	(tm) =	ssettm $0x1  }
0x92: {  	s4 =	sld [smem:$0x3FFB];
	_ =	sdelay $0x3  }
0x93: {  	_ =	strace s4  }
0x94: {  	s4 =	sld [smem:$0x3FFC];
	_ =	sdelay $0x3  }
0x95: {  	_ =	strace s4  }
0x96: {  	s4 =	sld [smem:$0x3FFD];
	_ =	sdelay $0x3  }
0x97: {  	_ =	strace s4  }
0x98: {  	_ =	strace $0x8FFFFFFF  }
0x99: {  	s19 =	sld [smem:$0x3FDB];
	_ =	sdelay $0x1  }
0x9a: {  	s5 =	simm.s32 $_scs_section_size  }
0x9b: {  	s6 =	simm.s32 $_size__tile_overlayer_lowered;
	s7 =	simm.s32 $_tile_overlayer_lowered  }
0x9c: {  	s22 =	simm.s32 $0x1BFF;
	s21 =	sshll.u32 s7, $0x1;
	s4 =	sadd.s32 s5, s19  }
0x9d: {  	s8 =	simm.s32 $0x0;
	s20 =	sshll.u32 s6, $0x1;
	s6 =	sadd.s32 s21, s4  }
0x9e: {  	[timem:s8], [sflag:s22] =	dma.local [hbm:s6], s20  }
0x9f: {  	_ =	swait.ge [sflag:s22], s20  }
0xa0: {  	s5 =	ssub.s32 $0x0, s20;
	[sflag:s22] =	ssyncset.done $0x0  }
0xa1: {  	[sflag:s22] =	ssyncadd.s32 s5;
	_ =	sdelay $0x1  }
0xa2: {  	s23 =	simm.s32 $0x1B8B  }
0xa3: {  	_ =	swait.ge [sflag:s23], $0x1  }
0xa4: {  	[sflag:s23] =	ssyncset.done $0x0  }
0xa5: {  	s25 =	simm.s32 $0x1B8E;
	s24 =	sld [smem:$0x3FFE];
	[sflag:s23] =	ssyncadd.s32 $0xFFFFFFFF  }
0xa6: {  	s26 =	simm.s32 $execute0_lowered;
	[smem:$0x3FD2] =	sst s25  }
0xa7: {  	s6 =	sshll.u32 s26, $0x1;
	_ =	strace $0x80000046;
	[dreg:$0x1] =	wrdreg $0xFFFFFFFF  }
0xa8: {  	s28 =	simm.s32 $_size_execute0_lowered;
	s4 =	sadd.s32 s4, s6;
	[dreg:$0x0] =	wrdreg $0x0  }
0xa9: {  	s6 =	sshll.u32 s28, $0x1;
	[dreg:$0x2] =	wrdreg s4  }
0xaa: {  	[dreg:$0x3] =	wrdreg s6  }
0xab: {  	[dreg:$0x4] =	wrdreg $0xC0  }
0xac: {  	_ =	task [dreg:s8], $0x5FFFF  }
0xad: {  	[dreg:$0x1] =	wrdreg $0xFFFFFFFF  }
0xae: {  	[dreg:$0x0] =	wrdreg $0x60  }
0xaf: {  	[dreg:$0x2] =	wrdreg s2  }
0xb0: {  	[dreg:$0x3] =	wrdreg s18  }
0xb1: {  	[dreg:$0x4] =	wrdreg s24  }
0xb2: {  	[dreg:$0x5] =	wrdreg $0x9  }
0xb3: {  	_ =	task.clear_ibuf [dreg:s8], $0x6FFFF;
	_ =	strace $0x90000046  }
0xb4: {  	s29 =	simm.s32 $0x9;
	_ =	strace $0x80000048  }
0xb5: {  	_ =	swait.ge [sflag:s29], $0x1  }
0xb6: {  	[sflag:s29] =	ssyncadd.s32 $0xFFFFFFFF  }
0xb7: {  	_ =	strace $0x90000048  }
0xb8: {  	_ =	sfence  }
0xb9: {  	s30 =	sld [smem:$0x0];
	_ =	sdelay $0x2  }
0xba: {  	s31 =	sshll.u32 s1, $0xD;
	s1 =	sshrl.u32 s1, $0x2  }
0xbb: {  	s3 =	sand.u32 $0x4000, s31;
	s1 =	sadd.s32 s1, s30  }
0xbc: {  	s0 =	sor.u32 s3, s0;
	s1 =	sshll.u32 s1, $0x11  }
0xbd: {  	s0 =	sor.u32 s1, s0  }
0xbe: {  	s0 =	sadd.s32 $0x8F2B, s0  }
0xbf: {  	[sflag:s0] =	ssyncadd.remote.s32 $0x1  }
0xc0: {  	_ =	sfence.sel $0xFFFF  }
0xc1: {  	[dreg:$0x0] =	wrdreg $0xFFFFFFFF;
	(pc) =	sbr.abs _section_cstart, $3  }
0xc2: {  	[dreg:$0x1] =	wrdreg $0xFFFFFFFF  }
0xc3: {  	_ =	task.clear_ibuf [dreg:s8], $0x2FFFF;
	_ =	strace $0x9FFFFFFF  }
0xc4: {  	(tm) =	ssettm $0x7FFFFFFF  }
0xc5: {  	_ =	shalt  }
tec
execute0_lowered:
.L_overlay_start_1:
0x0: {  	(tag) =	ssettag $0x1  }
0x1: {  	s1 =	rddreg [dreg:$0x0]  }
0x2: {  	s0 =	rddreg [dreg:$0x1]  }
0x3: {  	s2 =	rddreg [dreg:$0x2]  }
0x4: {  	s4 =	srdreg.scid;
	s9 =	stileid.u32  }
0x5: {  	s3 =	simm.s32 $0x0;
	s28 =	simm.s32 $0x2200;
	s29 =	simm.s32 $0x2A00  }
0x6: {  	s30 =	simm.s32 $0x3200;
	s31 =	simm.s32 $0x3A00;
	s11 =	simm.s32 $0x6200  }
0x7: {  	s12 =	simm.s32 $0x6A00;
	s13 =	simm.s32 $0x7200;
	s14 =	simm.s32 $0x7A00  }
0x8: {  	s15 =	simm.s32 $0x8200;
	s16 =	simm.s32 $0x8A00;
	s17 =	simm.s32 $0x9A00  }
0x9: {  	s18 =	simm.s32 $0xA200;
	s4 =	sand.u32 $0x1, s4;
	s5 =	sshll.u32 s9, $0x1  }
0xa: {  	[smem:$0x7FF] =	sst s3;
	s9 =	sshll.u32 s9, $0x7;
	s5 =	sor.u32 s4, s5  }
0xb: {  	s6 =	ssub.s32 $0x2, s4;
	_ =	strace $0x80000047;
	s8 =	smul.u32 $0xC0, s5  }
0xc: {  	s4 =	sshll.u32 s4, $0x6;
	s7 =	sshrl.u32 s6, $0x1;
	s10 =	smul.u32 $0x24000, s5  }
0xd: {  	s0 =	sadd.s32 s0, s4;
	s19 =	smul.u32 $0x4800, s5;
	s4 =	sadd.s32 $0x100, s1  }
0xe: {  	s0 =	sadd.s32 s9, s0;
	s6 =	ssub.s32 s6, s7;
	s7 =	simm.s32 $0x3  }
0xf: {  	s9 =	simm.s32 $0x5200;
	s20 =	sshrl.u32 s8, $0x3;
	s21 =	sshrl.u32 s10, $0x3  }
0x10: {  	[dreg:$0x4] =	wrdreg s0;
	s22 =	sadd.s32 s2, s19;
	s6 =	smax.u32 s6, $0x1  }
0x11: {  	s8 =	simm.s32 $0x1;
	s10 =	simm.s32 $0x5A00;
	s19 =	simm.s32 $0xAA00  }
0x12: {  	s5 =	smul.u32 $0x300, s20;
	s23 =	sadd.s32 s2, s21;
	[dreg:$0x5] =	wrdreg s22  }
0x13: {  	s21 =	simm.s32 $0x2;
	s20 =	simm.s32 $0x9200;
	s24 =	sadd.s32 $0x1200, s23  }
0x14: {  	s23 =	simm.s32 $0xA00;
	s2 =	sadd.s32 s2, s5;
	[dreg:$0x6] =	wrdreg s24  }
0x15: {  	v2 =	vlaneseq.u32;
	s5 =	sadd.s32 $0x200, s1;
	s24 =	simm.s32 $0x1200;
	s25 =	sadd.s32 $0x2400, s2  }
0x16: {  	vm0 =	vmmov $0xffff;
	v1 =	vshrl.u32 v2, $0x3;
	s26 =	sadd.s32 $0x3600, s2;
	s2 =	simm.s32 $0x4A00;
	[dreg:$0x7] =	wrdreg s25  }
0x17: {  	v0 =	vand.u32 $0x7, v2;
	v2 =	vor.u32 $0x8, v2;
	v1 =	vmul.u32 $0x8, v1;
	[dreg:$0x8] =	wrdreg s26;
	s26 =	simm.s32 $0x200;
	s25 =	simm.s32 $0x1A00  }
.LBB2_1:
0x18: {  	s22 =	rddreg [dreg:$0x4]  }
0x19: {  	[tilespmem:s3], [sflag:$0x3] =	stream.linear.gather [hbm4b:s22+s3], $0x200, $0x38;
	[tilespmem:$0x12200] =	vst v63  }
0x1a: {  	_ =	swait.ge [sflag:s7], $0x200  }
0x1b: {  	[sflag:s7] =	ssyncset.done $0x0  }
0x1c: {  	[sflag:s7] =	ssyncadd.s32 $0xFFFFFE00  }
0x1d: {  	v3 =	vld [tilespmem:$0x0];
	_ =	sdelay $0x4  }
0x1e: {  	v4 =	vshrl.u32 v3, $0x3  }
0x1f: {  	v4 =	vmul.u32 $0x30, v4  }
0x20: {  	v3 =	vand.u32 $0x7, v3  }
0x21: {  	v3 =	vor.u32 v3, v4  }
0x22: {  	v4 =	vperm.xlane v3, v0;
	_ =	sdelay $0x1  }
0x23: {  	v4 =	vadd.s32 v1, v4;
	_ =	sdelay $0x3  }
0x24: {  	v3 =	vperm.xlane v3, v2  }
0x25: {  	[tilespmem:s26], [sflag:$0x1] =	stream.indirect_vreg.gather [hbm4b:s1+s3], $0x80, v4, vm0, $0xb8;
	[tilespmem:$0x12200] =	vst v63  }
0x26: {  	v3 =	vadd.s32 v1, v3  }
0x27: {  	[tilespmem:s23], [sflag:$0x1] =	stream.indirect_vreg.gather [hbm4b:s4+s3], $0x80, v4, vm0, $0xb8;
	[tilespmem:$0x12200] =	vst v63  }
0x28: {  	_ = 	snop  }
0x29: {  	[tilespmem:s24], [sflag:$0x1] =	stream.indirect_vreg.gather [hbm4b:s5+s3], $0x80, v4, vm0, $0xb8;
	[tilespmem:$0x12200] =	vst v63  }
0x2a: {  	_ = 	snop  }
0x2b: {  	[tilespmem:s25], [sflag:$0x1] =	stream.indirect_vreg.gather [hbm4b:s1+s3], $0x80, v3, vm0, $0xb8;
	[tilespmem:$0x12200] =	vst v63  }
0x2c: {  	_ = 	snop  }
0x2d: {  	[tilespmem:s28], [sflag:$0x1] =	stream.indirect_vreg.gather [hbm4b:s4+s3], $0x80, v3, vm0, $0xb8;
	[tilespmem:$0x12200] =	vst v63  }
0x2e: {  	_ = 	snop  }
0x2f: {  	[tilespmem:s29], [sflag:$0x1] =	stream.indirect_vreg.gather [hbm4b:s5+s3], $0x80, v3, vm0, $0xb8;
	[tilespmem:$0x12200] =	vst v63  }
0x30: {  	v3 =	vld [tilespmem:$0x10];
	_ =	sdelay $0x4  }
0x31: {  	v53 =	vshrl.u32 v3, $0x3  }
0x32: {  	v4 =	vmul.u32 $0x30, v53  }
0x33: {  	v3 =	vand.u32 $0x7, v3  }
0x34: {  	v3 =	vor.u32 v3, v4  }
0x35: {  	v4 =	vperm.xlane v3, v0;
	_ =	sdelay $0x1  }
0x36: {  	v4 =	vadd.s32 v1, v4;
	_ =	sdelay $0x3  }
0x37: {  	v3 =	vperm.xlane v3, v2  }
0x38: {  	[tilespmem:s30], [sflag:$0x1] =	stream.indirect_vreg.gather [hbm4b:s1+s3], $0x80, v4, vm0, $0xb8;
	[tilespmem:$0x12200] =	vst v63  }
0x39: {  	v3 =	vadd.s32 v1, v3  }
0x3a: {  	[tilespmem:s31], [sflag:$0x1] =	stream.indirect_vreg.gather [hbm4b:s4+s3], $0x80, v4, vm0, $0xb8;
	[tilespmem:$0x12200] =	vst v63  }
0x3b: {  	s0 =	simm.s32 $0x4200  }
0x3c: {  	[tilespmem:s0], [sflag:$0x1] =	stream.indirect_vreg.gather [hbm4b:s5+s3], $0x80, v4, vm0, $0xb8;
	[tilespmem:$0x12200] =	vst v63  }
0x3d: {  	_ = 	snop  }
0x3e: {  	[tilespmem:s2], [sflag:$0x1] =	stream.indirect_vreg.gather [hbm4b:s1+s3], $0x80, v3, vm0, $0xb8;
	[tilespmem:$0x12200] =	vst v63  }
0x3f: {  	_ = 	snop  }
0x40: {  	[tilespmem:s9], [sflag:$0x1] =	stream.indirect_vreg.gather [hbm4b:s4+s3], $0x80, v3, vm0, $0xb8;
	[tilespmem:$0x12200] =	vst v63  }
0x41: {  	_ = 	snop  }
0x42: {  	[tilespmem:s10], [sflag:$0x1] =	stream.indirect_vreg.gather [hbm4b:s5+s3], $0x80, v3, vm0, $0xb8;
	[tilespmem:$0x12200] =	vst v63  }
0x43: {  	v3 =	vld [tilespmem:$0x20];
	_ =	sdelay $0x4  }
0x44: {  	v54 =	vshrl.u32 v3, $0x3  }
0x45: {  	v4 =	vmul.u32 $0x30, v54  }
0x46: {  	v3 =	vand.u32 $0x7, v3  }
0x47: {  	v3 =	vor.u32 v3, v4  }
0x48: {  	v4 =	vperm.xlane v3, v0;
	_ =	sdelay $0x1  }
0x49: {  	v4 =	vadd.s32 v1, v4;
	_ =	sdelay $0x3  }
0x4a: {  	v3 =	vperm.xlane v3, v2  }
0x4b: {  	[tilespmem:s11], [sflag:$0x1] =	stream.indirect_vreg.gather [hbm4b:s1+s3], $0x80, v4, vm0, $0xb8;
	[tilespmem:$0x12200] =	vst v63  }
0x4c: {  	v3 =	vadd.s32 v1, v3  }
0x4d: {  	[tilespmem:s12], [sflag:$0x1] =	stream.indirect_vreg.gather [hbm4b:s4+s3], $0x80, v4, vm0, $0xb8;
	[tilespmem:$0x12200] =	vst v63  }
0x4e: {  	_ = 	snop  }
0x4f: {  	[tilespmem:s13], [sflag:$0x1] =	stream.indirect_vreg.gather [hbm4b:s5+s3], $0x80, v4, vm0, $0xb8;
	[tilespmem:$0x12200] =	vst v63  }
0x50: {  	_ = 	snop  }
0x51: {  	[tilespmem:s14], [sflag:$0x1] =	stream.indirect_vreg.gather [hbm4b:s1+s3], $0x80, v3, vm0, $0xb8;
	[tilespmem:$0x12200] =	vst v63  }
0x52: {  	_ = 	snop  }
0x53: {  	[tilespmem:s15], [sflag:$0x1] =	stream.indirect_vreg.gather [hbm4b:s4+s3], $0x80, v3, vm0, $0xb8;
	[tilespmem:$0x12200] =	vst v63  }
0x54: {  	_ = 	snop  }
0x55: {  	[tilespmem:s16], [sflag:$0x1] =	stream.indirect_vreg.gather [hbm4b:s5+s3], $0x80, v3, vm0, $0xb8;
	[tilespmem:$0x12200] =	vst v63  }
0x56: {  	v3 =	vld [tilespmem:$0x80];
	_ =	sdelay $0x4  }
0x57: {  	v55 =	vshrl.u32 v3, $0x3  }
0x58: {  	v4 =	vmul.u32 $0x30, v55  }
0x59: {  	v3 =	vand.u32 $0x7, v3  }
0x5a: {  	v3 =	vor.u32 v3, v4  }
0x5b: {  	v4 =	vperm.xlane v3, v0;
	_ =	sdelay $0x1  }
0x5c: {  	v4 =	vadd.s32 v1, v4;
	_ =	sdelay $0x3  }
0x5d: {  	v3 =	vperm.xlane v3, v2  }
0x5e: {  	[tilespmem:s20], [sflag:$0x2] =	stream.indirect_vreg.gather [hbm4b:s1+s3], $0x80, v4, vm0, $0xb8;
	[tilespmem:$0x12200] =	vst v63  }
0x5f: {  	v3 =	vadd.s32 v1, v3  }
0x60: {  	[tilespmem:s17], [sflag:$0x2] =	stream.indirect_vreg.gather [hbm4b:s4+s3], $0x80, v4, vm0, $0xb8;
	[tilespmem:$0x12200] =	vst v63  }
0x61: {  	_ = 	snop  }
0x62: {  	[tilespmem:s18], [sflag:$0x2] =	stream.indirect_vreg.gather [hbm4b:s5+s3], $0x80, v4, vm0, $0xb8;
	[tilespmem:$0x12200] =	vst v63  }
0x63: {  	_ = 	snop  }
0x64: {  	[tilespmem:s19], [sflag:$0x2] =	stream.indirect_vreg.gather [hbm4b:s1+s3], $0x80, v3, vm0, $0xb8;
	[tilespmem:$0x12200] =	vst v63  }
0x65: {  	s22 =	simm.s32 $0xB200  }
0x66: {  	[tilespmem:s22], [sflag:$0x2] =	stream.indirect_vreg.gather [hbm4b:s4+s3], $0x80, v3, vm0, $0xb8;
	[tilespmem:$0x12200] =	vst v63  }
0x67: {  	s22 =	simm.s32 $0xBA00  }
0x68: {  	[tilespmem:s22], [sflag:$0x2] =	stream.indirect_vreg.gather [hbm4b:s5+s3], $0x80, v3, vm0, $0xb8;
	[tilespmem:$0x12200] =	vst v63  }
0x69: {  	v3 =	vld [tilespmem:$0x90];
	_ =	sdelay $0x4  }
0x6a: {  	v56 =	vshrl.u32 v3, $0x3  }
0x6b: {  	v4 =	vmul.u32 $0x30, v56  }
0x6c: {  	v3 =	vand.u32 $0x7, v3  }
0x6d: {  	v3 =	vor.u32 v3, v4  }
0x6e: {  	v4 =	vperm.xlane v3, v0;
	_ =	sdelay $0x1  }
0x6f: {  	v4 =	vadd.s32 v1, v4;
	_ =	sdelay $0x3  }
0x70: {  	s22 =	simm.s32 $0xC200;
	v3 =	vperm.xlane v3, v2  }
0x71: {  	[tilespmem:s22], [sflag:$0x2] =	stream.indirect_vreg.gather [hbm4b:s1+s3], $0x80, v4, vm0, $0xb8;
	[tilespmem:$0x12200] =	vst v63  }
0x72: {  	v3 =	vadd.s32 v1, v3;
	s22 =	simm.s32 $0xCA00  }
0x73: {  	[tilespmem:s22], [sflag:$0x2] =	stream.indirect_vreg.gather [hbm4b:s4+s3], $0x80, v4, vm0, $0xb8;
	[tilespmem:$0x12200] =	vst v63  }
0x74: {  	s22 =	simm.s32 $0xD200  }
0x75: {  	[tilespmem:s22], [sflag:$0x2] =	stream.indirect_vreg.gather [hbm4b:s5+s3], $0x80, v4, vm0, $0xb8;
	[tilespmem:$0x12200] =	vst v63  }
0x76: {  	s22 =	simm.s32 $0xDA00  }
0x77: {  	[tilespmem:s22], [sflag:$0x2] =	stream.indirect_vreg.gather [hbm4b:s1+s3], $0x80, v3, vm0, $0xb8;
	[tilespmem:$0x12200] =	vst v63  }
0x78: {  	s22 =	simm.s32 $0xE200  }
0x79: {  	[tilespmem:s22], [sflag:$0x2] =	stream.indirect_vreg.gather [hbm4b:s4+s3], $0x80, v3, vm0, $0xb8;
	[tilespmem:$0x12200] =	vst v63  }
0x7a: {  	s22 =	simm.s32 $0xEA00  }
0x7b: {  	[tilespmem:s22], [sflag:$0x2] =	stream.indirect_vreg.gather [hbm4b:s5+s3], $0x80, v3, vm0, $0xb8;
	[tilespmem:$0x12200] =	vst v63  }
0x7c: {  	v3 =	vld [tilespmem:$0xA0];
	_ =	sdelay $0x4  }
0x7d: {  	v57 =	vshrl.u32 v3, $0x3  }
0x7e: {  	v4 =	vmul.u32 $0x30, v57  }
0x7f: {  	v3 =	vand.u32 $0x7, v3  }
0x80: {  	v3 =	vor.u32 v3, v4  }
0x81: {  	v4 =	vperm.xlane v3, v0;
	_ =	sdelay $0x1  }
0x82: {  	v4 =	vadd.s32 v1, v4;
	_ =	sdelay $0x3  }
0x83: {  	s22 =	simm.s32 $0xF200;
	v3 =	vperm.xlane v3, v2  }
0x84: {  	[tilespmem:s22], [sflag:$0x2] =	stream.indirect_vreg.gather [hbm4b:s1+s3], $0x80, v4, vm0, $0xb8;
	[tilespmem:$0x12200] =	vst v63  }
0x85: {  	v3 =	vadd.s32 v1, v3;
	s22 =	simm.s32 $0xFA00  }
0x86: {  	[tilespmem:s22], [sflag:$0x2] =	stream.indirect_vreg.gather [hbm4b:s4+s3], $0x80, v4, vm0, $0xb8;
	[tilespmem:$0x12200] =	vst v63  }
0x87: {  	s22 =	simm.s32 $0x10200  }
0x88: {  	[tilespmem:s22], [sflag:$0x2] =	stream.indirect_vreg.gather [hbm4b:s5+s3], $0x80, v4, vm0, $0xb8;
	[tilespmem:$0x12200] =	vst v63  }
0x89: {  	s22 =	simm.s32 $0x10A00  }
0x8a: {  	[tilespmem:s22], [sflag:$0x2] =	stream.indirect_vreg.gather [hbm4b:s1+s3], $0x80, v3, vm0, $0xb8;
	[tilespmem:$0x12200] =	vst v63  }
0x8b: {  	s22 =	simm.s32 $0x11200  }
0x8c: {  	[tilespmem:s22], [sflag:$0x2] =	stream.indirect_vreg.gather [hbm4b:s4+s3], $0x80, v3, vm0, $0xb8;
	[tilespmem:$0x12200] =	vst v63  }
0x8d: {  	s22 =	simm.s32 $0x11A00  }
0x8e: {  	[tilespmem:s22], [sflag:$0x2] =	stream.indirect_vreg.gather [hbm4b:s5+s3], $0x80, v3, vm0, $0xb8;
	[tilespmem:$0x12200] =	vst v63  }
0x8f: {  	_ =	swait.ge [sflag:s8], $0x9000  }
0x90: {  	[sflag:s8] =	ssyncset.done $0x0  }
0x91: {  	s22 =	rddreg [dreg:$0x5];
	[sflag:s8] =	ssyncadd.s32 $0xFFFF7000  }
0x92: {  	[hbm4b:s22+s3] =	stream.linear.scatter [tilespmem:s26], [sflag:$0x3], $0x9000, $0x38;
	[tilespmem:$0x12200] =	vst v63  }
0x93: {  	_ =	swait.ge [sflag:s7], $0x9000  }
0x94: {  	[sflag:s7] =	ssyncset.done $0x0  }
0x95: {  	[sflag:s7] =	ssyncadd.s32 $0xFFFF7000  }
0x96: {  	v3 =	vld [tilespmem:$0x100];
	_ =	sdelay $0x4  }
0x97: {  	v58 =	vshrl.u32 v3, $0x3  }
0x98: {  	v4 =	vmul.u32 $0x30, v58  }
0x99: {  	v3 =	vand.u32 $0x7, v3  }
0x9a: {  	v3 =	vor.u32 v3, v4  }
0x9b: {  	v4 =	vperm.xlane v3, v0;
	_ =	sdelay $0x1  }
0x9c: {  	v4 =	vadd.s32 v1, v4;
	_ =	sdelay $0x3  }
0x9d: {  	v3 =	vperm.xlane v3, v2  }
0x9e: {  	[tilespmem:s26], [sflag:$0x1] =	stream.indirect_vreg.gather [hbm4b:s1+s3], $0x80, v4, vm0, $0xb8;
	[tilespmem:$0x12200] =	vst v63  }
0x9f: {  	v3 =	vadd.s32 v1, v3  }
0xa0: {  	[tilespmem:s23], [sflag:$0x1] =	stream.indirect_vreg.gather [hbm4b:s4+s3], $0x80, v4, vm0, $0xb8;
	[tilespmem:$0x12200] =	vst v63  }
0xa1: {  	_ = 	snop  }
0xa2: {  	[tilespmem:s24], [sflag:$0x1] =	stream.indirect_vreg.gather [hbm4b:s5+s3], $0x80, v4, vm0, $0xb8;
	[tilespmem:$0x12200] =	vst v63  }
0xa3: {  	_ = 	snop  }
0xa4: {  	[tilespmem:s25], [sflag:$0x1] =	stream.indirect_vreg.gather [hbm4b:s1+s3], $0x80, v3, vm0, $0xb8;
	[tilespmem:$0x12200] =	vst v63  }
0xa5: {  	_ = 	snop  }
0xa6: {  	[tilespmem:s28], [sflag:$0x1] =	stream.indirect_vreg.gather [hbm4b:s4+s3], $0x80, v3, vm0, $0xb8;
	[tilespmem:$0x12200] =	vst v63  }
0xa7: {  	_ = 	snop  }
0xa8: {  	[tilespmem:s29], [sflag:$0x1] =	stream.indirect_vreg.gather [hbm4b:s5+s3], $0x80, v3, vm0, $0xb8;
	[tilespmem:$0x12200] =	vst v63  }
0xa9: {  	v3 =	vld [tilespmem:$0x110];
	_ =	sdelay $0x4  }
0xaa: {  	v59 =	vshrl.u32 v3, $0x3  }
0xab: {  	v4 =	vmul.u32 $0x30, v59  }
0xac: {  	v3 =	vand.u32 $0x7, v3  }
0xad: {  	v3 =	vor.u32 v3, v4  }
0xae: {  	v4 =	vperm.xlane v3, v0;
	_ =	sdelay $0x1  }
0xaf: {  	v4 =	vadd.s32 v1, v4;
	_ =	sdelay $0x3  }
0xb0: {  	v3 =	vperm.xlane v3, v2  }
0xb1: {  	[tilespmem:s30], [sflag:$0x1] =	stream.indirect_vreg.gather [hbm4b:s1+s3], $0x80, v4, vm0, $0xb8;
	[tilespmem:$0x12200] =	vst v63  }
0xb2: {  	v3 =	vadd.s32 v1, v3  }
0xb3: {  	[tilespmem:s31], [sflag:$0x1] =	stream.indirect_vreg.gather [hbm4b:s4+s3], $0x80, v4, vm0, $0xb8;
	[tilespmem:$0x12200] =	vst v63  }
0xb4: {  	_ = 	snop  }
0xb5: {  	[tilespmem:s0], [sflag:$0x1] =	stream.indirect_vreg.gather [hbm4b:s5+s3], $0x80, v4, vm0, $0xb8;
	[tilespmem:$0x12200] =	vst v63  }
0xb6: {  	_ = 	snop  }
0xb7: {  	[tilespmem:s2], [sflag:$0x1] =	stream.indirect_vreg.gather [hbm4b:s1+s3], $0x80, v3, vm0, $0xb8;
	[tilespmem:$0x12200] =	vst v63  }
0xb8: {  	_ = 	snop  }
0xb9: {  	[tilespmem:s9], [sflag:$0x1] =	stream.indirect_vreg.gather [hbm4b:s4+s3], $0x80, v3, vm0, $0xb8;
	[tilespmem:$0x12200] =	vst v63  }
0xba: {  	_ = 	snop  }
0xbb: {  	[tilespmem:s10], [sflag:$0x1] =	stream.indirect_vreg.gather [hbm4b:s5+s3], $0x80, v3, vm0, $0xb8;
	[tilespmem:$0x12200] =	vst v63  }
0xbc: {  	v3 =	vld [tilespmem:$0x120];
	_ =	sdelay $0x4  }
0xbd: {  	v60 =	vshrl.u32 v3, $0x3  }
0xbe: {  	v4 =	vmul.u32 $0x30, v60  }
0xbf: {  	v3 =	vand.u32 $0x7, v3  }
0xc0: {  	v3 =	vor.u32 v3, v4  }
0xc1: {  	v4 =	vperm.xlane v3, v0;
	_ =	sdelay $0x1  }
0xc2: {  	v4 =	vadd.s32 v1, v4;
	_ =	sdelay $0x3  }
0xc3: {  	v3 =	vperm.xlane v3, v2  }
0xc4: {  	[tilespmem:s11], [sflag:$0x1] =	stream.indirect_vreg.gather [hbm4b:s1+s3], $0x80, v4, vm0, $0xb8;
	[tilespmem:$0x12200] =	vst v63  }
0xc5: {  	v3 =	vadd.s32 v1, v3  }
0xc6: {  	[tilespmem:s12], [sflag:$0x1] =	stream.indirect_vreg.gather [hbm4b:s4+s3], $0x80, v4, vm0, $0xb8;
	[tilespmem:$0x12200] =	vst v63  }
0xc7: {  	_ = 	snop  }
0xc8: {  	[tilespmem:s13], [sflag:$0x1] =	stream.indirect_vreg.gather [hbm4b:s5+s3], $0x80, v4, vm0, $0xb8;
	[tilespmem:$0x12200] =	vst v63  }
0xc9: {  	_ = 	snop  }
0xca: {  	[tilespmem:s14], [sflag:$0x1] =	stream.indirect_vreg.gather [hbm4b:s1+s3], $0x80, v3, vm0, $0xb8;
	[tilespmem:$0x12200] =	vst v63  }
0xcb: {  	_ = 	snop  }
0xcc: {  	[tilespmem:s15], [sflag:$0x1] =	stream.indirect_vreg.gather [hbm4b:s4+s3], $0x80, v3, vm0, $0xb8;
	[tilespmem:$0x12200] =	vst v63  }
0xcd: {  	_ = 	snop  }
0xce: {  	[tilespmem:s16], [sflag:$0x1] =	stream.indirect_vreg.gather [hbm4b:s5+s3], $0x80, v3, vm0, $0xb8;
	[tilespmem:$0x12200] =	vst v63  }
0xcf: {  	_ =	swait.ge [sflag:s21], $0x9000  }
0xd0: {  	[sflag:s21] =	ssyncset.done $0x0  }
0xd1: {  	s0 =	rddreg [dreg:$0x6];
	[sflag:s21] =	ssyncadd.s32 $0xFFFF7000  }
0xd2: {  	[hbm4b:s0+s3] =	stream.linear.scatter [tilespmem:s20], [sflag:$0x3], $0x9000, $0x38;
	[tilespmem:$0x12200] =	vst v63  }
0xd3: {  	_ =	swait.ge [sflag:s7], $0x9000  }
0xd4: {  	[sflag:s7] =	ssyncset.done $0x0  }
0xd5: {  	[sflag:s7] =	ssyncadd.s32 $0xFFFF7000  }
0xd6: {  	v3 =	vld [tilespmem:$0x180];
	_ =	sdelay $0x4  }
0xd7: {  	v61 =	vshrl.u32 v3, $0x3  }
0xd8: {  	v4 =	vmul.u32 $0x30, v61  }
0xd9: {  	v3 =	vand.u32 $0x7, v3  }
0xda: {  	v3 =	vor.u32 v3, v4  }
0xdb: {  	v4 =	vperm.xlane v3, v0;
	_ =	sdelay $0x1  }
0xdc: {  	v4 =	vadd.s32 v1, v4;
	_ =	sdelay $0x3  }
0xdd: {  	v3 =	vperm.xlane v3, v2  }
0xde: {  	[tilespmem:s20], [sflag:$0x2] =	stream.indirect_vreg.gather [hbm4b:s1+s3], $0x80, v4, vm0, $0xb8;
	[tilespmem:$0x12200] =	vst v63  }
0xdf: {  	v3 =	vadd.s32 v1, v3  }
0xe0: {  	[tilespmem:s17], [sflag:$0x2] =	stream.indirect_vreg.gather [hbm4b:s4+s3], $0x80, v4, vm0, $0xb8;
	[tilespmem:$0x12200] =	vst v63  }
0xe1: {  	_ = 	snop  }
0xe2: {  	[tilespmem:s18], [sflag:$0x2] =	stream.indirect_vreg.gather [hbm4b:s5+s3], $0x80, v4, vm0, $0xb8;
	[tilespmem:$0x12200] =	vst v63  }
0xe3: {  	_ = 	snop  }
0xe4: {  	[tilespmem:s19], [sflag:$0x2] =	stream.indirect_vreg.gather [hbm4b:s1+s3], $0x80, v3, vm0, $0xb8;
	[tilespmem:$0x12200] =	vst v63  }
0xe5: {  	s22 =	simm.s32 $0xB200  }
0xe6: {  	[tilespmem:s22], [sflag:$0x2] =	stream.indirect_vreg.gather [hbm4b:s4+s3], $0x80, v3, vm0, $0xb8;
	[tilespmem:$0x12200] =	vst v63  }
0xe7: {  	s22 =	simm.s32 $0xBA00  }
0xe8: {  	[tilespmem:s22], [sflag:$0x2] =	stream.indirect_vreg.gather [hbm4b:s5+s3], $0x80, v3, vm0, $0xb8;
	[tilespmem:$0x12200] =	vst v63  }
0xe9: {  	v3 =	vld [tilespmem:$0x190];
	_ =	sdelay $0x4  }
0xea: {  	v62 =	vshrl.u32 v3, $0x3  }
0xeb: {  	v4 =	vmul.u32 $0x30, v62  }
0xec: {  	v3 =	vand.u32 $0x7, v3  }
0xed: {  	v3 =	vor.u32 v3, v4  }
0xee: {  	v4 =	vperm.xlane v3, v0;
	_ =	sdelay $0x1  }
0xef: {  	v4 =	vadd.s32 v1, v4;
	_ =	sdelay $0x3  }
0xf0: {  	s22 =	simm.s32 $0xC200;
	v3 =	vperm.xlane v3, v2  }
0xf1: {  	[tilespmem:s22], [sflag:$0x2] =	stream.indirect_vreg.gather [hbm4b:s1+s3], $0x80, v4, vm0, $0xb8;
	[tilespmem:$0x12200] =	vst v63  }
0xf2: {  	v3 =	vadd.s32 v1, v3;
	s22 =	simm.s32 $0xCA00  }
0xf3: {  	[tilespmem:s22], [sflag:$0x2] =	stream.indirect_vreg.gather [hbm4b:s4+s3], $0x80, v4, vm0, $0xb8;
	[tilespmem:$0x12200] =	vst v63  }
0xf4: {  	s22 =	simm.s32 $0xD200  }
0xf5: {  	[tilespmem:s22], [sflag:$0x2] =	stream.indirect_vreg.gather [hbm4b:s5+s3], $0x80, v4, vm0, $0xb8;
	[tilespmem:$0x12200] =	vst v63  }
0xf6: {  	s22 =	simm.s32 $0xDA00  }
0xf7: {  	[tilespmem:s22], [sflag:$0x2] =	stream.indirect_vreg.gather [hbm4b:s1+s3], $0x80, v3, vm0, $0xb8;
	[tilespmem:$0x12200] =	vst v63  }
0xf8: {  	s22 =	simm.s32 $0xE200  }
0xf9: {  	[tilespmem:s22], [sflag:$0x2] =	stream.indirect_vreg.gather [hbm4b:s4+s3], $0x80, v3, vm0, $0xb8;
	[tilespmem:$0x12200] =	vst v63  }
0xfa: {  	s22 =	simm.s32 $0xEA00  }
0xfb: {  	[tilespmem:s22], [sflag:$0x2] =	stream.indirect_vreg.gather [hbm4b:s5+s3], $0x80, v3, vm0, $0xb8;
	[tilespmem:$0x12200] =	vst v63  }
0xfc: {  	v3 =	vld [tilespmem:$0x1A0];
	_ =	sdelay $0x4  }
0xfd: {  	v63 =	vshrl.u32 v3, $0x3  }
0xfe: {  	v4 =	vmul.u32 $0x30, v63  }
0xff: {  	v3 =	vand.u32 $0x7, v3  }
0x100: {  	v3 =	vor.u32 v3, v4  }
0x101: {  	v4 =	vperm.xlane v3, v0;
	_ =	sdelay $0x1  }
0x102: {  	v4 =	vadd.s32 v1, v4;
	_ =	sdelay $0x3  }
0x103: {  	s22 =	simm.s32 $0xF200;
	v3 =	vperm.xlane v3, v2  }
0x104: {  	[tilespmem:s22], [sflag:$0x2] =	stream.indirect_vreg.gather [hbm4b:s1+s3], $0x80, v4, vm0, $0xb8;
	[tilespmem:$0x12200] =	vst v63  }
0x105: {  	v3 =	vadd.s32 v1, v3;
	s22 =	simm.s32 $0xFA00  }
0x106: {  	[tilespmem:s22], [sflag:$0x2] =	stream.indirect_vreg.gather [hbm4b:s4+s3], $0x80, v4, vm0, $0xb8;
	[tilespmem:$0x12200] =	vst v63  }
0x107: {  	s22 =	simm.s32 $0x10200  }
0x108: {  	[tilespmem:s22], [sflag:$0x2] =	stream.indirect_vreg.gather [hbm4b:s5+s3], $0x80, v4, vm0, $0xb8;
	[tilespmem:$0x12200] =	vst v63  }
0x109: {  	s22 =	simm.s32 $0x10A00  }
0x10a: {  	[tilespmem:s22], [sflag:$0x2] =	stream.indirect_vreg.gather [hbm4b:s1+s3], $0x80, v3, vm0, $0xb8;
	[tilespmem:$0x12200] =	vst v63  }
0x10b: {  	s22 =	simm.s32 $0x11200  }
0x10c: {  	[tilespmem:s22], [sflag:$0x2] =	stream.indirect_vreg.gather [hbm4b:s4+s3], $0x80, v3, vm0, $0xb8;
	[tilespmem:$0x12200] =	vst v63  }
0x10d: {  	s22 =	simm.s32 $0x11A00  }
0x10e: {  	[tilespmem:s22], [sflag:$0x2] =	stream.indirect_vreg.gather [hbm4b:s5+s3], $0x80, v3, vm0, $0xb8;
	[tilespmem:$0x12200] =	vst v63  }
0x10f: {  	_ =	swait.ge [sflag:s8], $0x9000  }
0x110: {  	[sflag:s8] =	ssyncset.done $0x0  }
0x111: {  	s0 =	rddreg [dreg:$0x7];
	[sflag:s8] =	ssyncadd.s32 $0xFFFF7000  }
0x112: {  	[hbm4b:s0+s3] =	stream.linear.scatter [tilespmem:s26], [sflag:$0x3], $0x9000, $0x38;
	[tilespmem:$0x12200] =	vst v63  }
0x113: {  	_ =	swait.ge [sflag:s7], $0x9000  }
0x114: {  	[sflag:s7] =	ssyncset.done $0x0  }
0x115: {  	[sflag:s7] =	ssyncadd.s32 $0xFFFF7000  }
0x116: {  	_ =	swait.ge [sflag:s21], $0x9000  }
0x117: {  	p0 =	sne.s32 s6, $0x1;
	[sflag:s21] =	ssyncset.done $0x0  }
.Ltmp0:
0x118: {  	s0 =	rddreg [dreg:$0x8];
	[sflag:s21] =	ssyncadd.s32 $0xFFFF7000;
	(pc) =	sbr.rel @p0 .LBB2_1-.Ltmp0, $4  }
0x119: {  	[hbm4b:s0+s3] =	stream.linear.scatter [tilespmem:s20], [sflag:$0x3], $0x9000, $0x38;
	[tilespmem:$0x12200] =	vst v63  }
0x11a: {  	_ =	swait.ge [sflag:s7], $0x9000  }
0x11b: {  	[sflag:s7] =	ssyncset.done $0x0  }
0x11c: {  	s6 =	sadd.s32 $0xFFFFFFFF, s6;
	[sflag:s7] =	ssyncadd.s32 $0xFFFF7000  }
0x11d: {  	_ =	sfence.sel $0x180000  }
0x11e: {  	[bflag:$0x0] =	sbarrier.arrive $0xFFFF  }
0x11f: {  	_ =	strace $0x90000047  }
0x120: {  	s0 =	stileid.u32;
	[bflag:$0x2] =	sbarrier.arrive $0xFFFF  }
0x121: {  	p0 =	sne.s32 s0, $0x0;
	s0 =	rddreg [dreg:$0x3]  }
0x122: {  	s0 =	sadd.s32 @!p0 $0x100000, s0  }
0x123: {  	[sflag:s0] =	ssyncadd.tile.s32 @!p0 $0x1;
	_ =	shalt  }
.Lfunc_end2:
_tile_overlayer_lowered:
.L_overlay_start_2:
0x124: {  	(tag) =	ssettag $0x2  }
0x125: {  	s0 =	rddreg [dreg:$0x0];
	s2 =	stileid.u32  }
0x126: {  	s1 =	rddreg [dreg:$0x1];
	p0 =	sne.s32 s2, $0x0  }
0x127: {  	s3 =	rddreg [dreg:$0x2];
	[bflag:$0x3] =	sbarrier.arrive $0xFFFF;
	s2 =	simm.s32 @!p0 $0x1C03  }
0x128: {  	[timem:s3], [sflag:s2] =	dma.local @!p0 [hbm:s0], s1  }
0x129: {  	s0 =	simm.s32 @!p0 $0x3  }
0x12a: {  	_ =	swait.ge @!p0 [sflag:s0], s1  }
0x12b: {  	s1 =	ssub.s32 @!p0 $0x0, s1;
	[sflag:s0] =	ssyncset.done @!p0 $0x0  }
0x12c: {  	[sflag:s0] =	ssyncadd.s32 @!p0 s1  }
0x12d: {  	[bflag:$0x3] =	sbarrier.arrive $0xFFFF  }
0x12e: {  	_ =	shalt  }

</sc_bundles>
